<compile_context>
chip_gen: v7x
topology: tpu7x:2x2x1
jax: 0.10.2.dev20260603
libtpu: 0.0.44.dev20260713+nightly
codegen_flags: <defaults>
</compile_context>

<pallas_src>
import functools

import jax
import jax.numpy as jnp
from jax import lax
from jax.experimental import pallas as pl
from jax.experimental.pallas import tpu as pltpu
from jax.experimental.pallas import tpu_sc as plsc

B, L, D = 4, 2048, 1024
S, N = 512, 3
BL = B * L

T = 256

NC, NS = 2, 16
NW = NC * NS
RPW = BL // NW
CH = 32
NCH = RPW // CH


def _tc_argmax_body(xprev_ref, xcur_ref, mem_ref, pbP_ref, out_ref):
    i = pl.program_id(0)
    pos0 = (i * T) % L
    prev = xprev_ref[...]
    cur = xcur_ref[...]
    rows = []
    for n in range(N):
        sh = (N - 1) - n
        if sh:
            xs = jnp.concatenate([prev[T - sh:], cur[: T - sh]], axis=0)
        else:
            xs = cur
        m_n = mem_ref[n]
        simsT = lax.dot_general(
            m_n, xs.astype(jnp.bfloat16), (((1,), (1,)), ((), ())),
            preferred_element_type=jnp.float32)
        colid = lax.broadcasted_iota(jnp.int32, (S, T), 1)
        simsT = jnp.where(colid + pos0 >= sh, simsT, 0.0)
        scores = simsT + pbP_ref[:, n:n + 1]
        amax = jnp.max(scores, axis=0, keepdims=True)
        rowid = lax.broadcasted_iota(jnp.int32, (S, T), 0)
        best = jnp.min(jnp.where(scores == amax, rowid, S),
                       axis=0, keepdims=True)
        rows.append(best * N + n)
    rows.append(jnp.zeros((8 - N, T), jnp.int32))
    out_ref[...] = jnp.concatenate(rows, axis=0)


def _tc_argmax(xf, memory, pbP):
    return pl.pallas_call(
        _tc_argmax_body,
        grid=(BL // T,),
        in_specs=[
            pl.BlockSpec((T, D), lambda i: (jnp.maximum(i - 1, 0), 0)),
            pl.BlockSpec((T, D), lambda i: (i, 0)),
            pl.BlockSpec((N, S, D), lambda i: (0, 0, 0)),
            pl.BlockSpec((S, 8), lambda i: (0, 0)),
        ],
        out_specs=pl.BlockSpec((8, T), lambda i: (0, i)),
        out_shape=jax.ShapeDtypeStruct((8, BL), jnp.int32),
    )(xf, xf, memory, pbP)


def _sc_gather_body(idx_hbm, mem_hbm, out_hbm,
                    ia0, ia1, ia2, acc0, acc1,
                    sem_g, sem_a, sem_s0, sem_s1):
    wid = lax.axis_index("s") * NC + lax.axis_index("c")
    base = wid * RPW
    accs = (acc0, acc1)
    ssems = (sem_s0, sem_s1)
    pltpu.sync_copy(idx_hbm.at[pl.ds(0 * BL + base, RPW)], ia0)
    pltpu.sync_copy(idx_hbm.at[pl.ds(1 * BL + base, RPW)], ia1)
    pltpu.sync_copy(idx_hbm.at[pl.ds(2 * BL + base, RPW)], ia2)
    g0 = pltpu.async_copy(mem_hbm.at[ia0.at[pl.ds(0, CH)]], acc0, sem_g)
    stores = [None, None]
    for ci in range(NCH):
        b = ci % 2
        acc = accs[b]
        g0.wait()
        a1 = pltpu.async_copy(mem_hbm.at[ia1.at[pl.ds(ci * CH, CH)]],
                              acc, sem_a, add=True)
        a2 = pltpu.async_copy(mem_hbm.at[ia2.at[pl.ds(ci * CH, CH)]],
                              acc, sem_a, add=True)
        if ci + 1 < NCH:
            nb = (ci + 1) % 2
            if stores[nb] is not None:
                stores[nb].wait()
            g0 = pltpu.async_copy(mem_hbm.at[ia0.at[pl.ds((ci + 1) * CH, CH)]],
                                  accs[nb], sem_g)
        a1.wait()
        a2.wait()
        stores[b] = pltpu.make_async_copy(
            acc, out_hbm.at[pl.ds(base + ci * CH, CH)], ssems[b])
        stores[b].start()
    for st in stores:
        if st is not None:
            st.wait()


def _sc_gather(idx, mem_flat):
    mesh = plsc.VectorSubcoreMesh(core_axis_name="c", subcore_axis_name="s")
    fn = functools.partial(
        pl.kernel,
        mesh=mesh,
        out_type=jax.ShapeDtypeStruct((BL, D // 128, 128), jnp.float32),
        scratch_types=[
            pltpu.VMEM((RPW,), jnp.int32),
            pltpu.VMEM((RPW,), jnp.int32),
            pltpu.VMEM((RPW,), jnp.int32),
            pltpu.VMEM((CH, D // 128, 128), jnp.float32),
            pltpu.VMEM((CH, D // 128, 128), jnp.float32),
            pltpu.SemaphoreType.DMA,
            pltpu.SemaphoreType.DMA,
            pltpu.SemaphoreType.DMA,
            pltpu.SemaphoreType.DMA,
        ],
    )(_sc_gather_body)
    return fn(idx.reshape(-1), mem_flat.reshape(S * N, D // 128, 128))


def kernel(x, memory, pos_bias):
    xf = x.reshape(BL, D)
    memT = jnp.transpose(memory, (1, 0, 2)).astype(jnp.bfloat16)
    pbP = jnp.pad(pos_bias, ((0, 0), (0, 8 - N)))
    idx = _tc_argmax(xf, memT, pbP)
    mem_flat = memory.reshape(S * N, D)
    out = _sc_gather(idx, mem_flat)
    return out.reshape(B, L, D)

# --- scband reference (transcript-rebuilt; emitter-appended) ---
"""Pipeline reference for scband-positional-ngram-memory-network-80109730005689 (READ-ONLY COPY).

The authoritative reference and input builder live on the scoring server;
editing this copy changes nothing except your own understanding.
"""

import jax, jax.numpy as jnp
import numpy as np

B, L, D = 4, 2048, 1024
S, N = 512, 3  # memory_slots, max_ngram

def setup_inputs(seed: int = 0) -> dict:
    key = jax.random.key(seed)
    k1, k2, k3 = jax.random.split(key, 3)
    x = jax.random.normal(k1, (B, L, D), dtype=jnp.float32)
    memory = jax.random.normal(k2, (S, N, D), dtype=jnp.float32)
    pos_bias = jax.random.normal(k3, (S, N), dtype=jnp.float32)
    return {"x": x, "memory": memory, "pos_bias": pos_bias}

def _extract_ngrams(x, max_ngram):
    Bb, Ll, d = x.shape
    pad = jnp.zeros((Bb, max_ngram - 1, d), dtype=x.dtype)
    xpad = jnp.concatenate([pad, x], axis=1)
    ngrams = [xpad[:, n:n + Ll] for n in range(max_ngram)]
    return jnp.stack(ngrams, axis=2)  # [B, L, N, d]

def reference(x, memory, pos_bias):
    Ss, Nn, d = memory.shape
    ngrams = _extract_ngrams(x, Nn)                       # [B, L, N, d]
    # similarity of each ngram vector against every memory slot (per ngram order)
    sims = jnp.einsum('blnd,snd->blns', ngrams, memory)   # [B, L, N, S]
    scores = sims + pos_bias.T[None, None, :, :]          # pos_bias.T: [N, S]
    best = jnp.argmax(scores, axis=-1)                    # [B, L, N] slot indices
    # gather memory[best[b,l,n], n, :] and sum over ngram orders
    n_idx = jnp.arange(Nn)[None, None, :]                 # [1, 1, N]
    gathered = memory[best, n_idx, :]                     # [B, L, N, d]
    enhanced = gathered.sum(axis=2)                       # [B, L, d]
    return enhanced

if __name__ == "__main__":
    import jax
    _d = setup_inputs()
    print(jax.jit(kernel)(*tuple(_d.values())))

</pallas_src>

<mosaic_0001>
#map = affine_map<(d0, d1) -> (0)>
#map1 = affine_map<(d0, d1) -> (0, 0, 0)>
module attributes {stable_mosaic.version = 14 : i64} {
  func.func @_sc_gather_body(%arg0: i32, %arg1: i32, %arg2: memref<65536xi32, #tpu.memory_space<hbm>>, %arg3: memref<1536x8x128xf32, #tpu.memory_space<hbm>>, %arg4: memref<8192x8x128xf32, #tpu.memory_space<hbm>>, %arg5: memref<256xi32, #tpu.memory_space<vmem>>, %arg6: memref<256xi32, #tpu.memory_space<vmem>>, %arg7: memref<256xi32, #tpu.memory_space<vmem>>, %arg8: memref<32x8x128xf32, #tpu.memory_space<vmem>>, %arg9: memref<32x8x128xf32, #tpu.memory_space<vmem>>, %arg10: memref<!tpu.dma_semaphore, #tpu.memory_space<semaphore_mem>>, %arg11: memref<!tpu.dma_semaphore, #tpu.memory_space<semaphore_mem>>, %arg12: memref<!tpu.dma_semaphore, #tpu.memory_space<semaphore_mem>>, %arg13: memref<!tpu.dma_semaphore, #tpu.memory_space<semaphore_mem>>) attributes {dimension_semantics = [#tpu.dimension_semantics<core_parallel>, #tpu.dimension_semantics<subcore_parallel>], iteration_bounds = array<i64: 2, 16>, scalar_prefetch = 0 : i64, scratch_operands = 9 : i64, tpu.core_type = #tpu.core_type<sc_vector_subcore>, window_params = [{transform_indices = #map}, {transform_indices = #map1}, {transform_indices = #map1}]} {
    %mul3A = arith.constant 2 : i32
    %mul3A_0 = arith.muli %arg1, %mul3A : i32
    %add3A = arith.addi %mul3A_0, %arg0 : i32
    %mul3A_1 = arith.constant 256 : i32
    %mul3A_2 = arith.muli %add3A, %mul3A_1 : i32
    %add3A_3 = arith.constant 0 : i32
    %add3A_4 = arith.addi %add3A_3, %mul3A_2 : i32
    "tpu.region"() ({
      %run_scoped3A = tpu.sem_alloc : memref<!tpu.dma_semaphore, #tpu.memory_space<semaphore_mem>>
      %dma_start3A_407 = tpu.memref_slice %arg2[%add3A_4] : memref<65536xi32, #tpu.memory_space<hbm>> -> memref<256xi32, #tpu.memory_space<hbm>>
      %dma_start3A_408 = tpu.memref_slice %arg2[%add3A_4] : memref<65536xi32, #tpu.memory_space<hbm>> -> memref<256xi32, #tpu.memory_space<hbm>>
      tpu.enqueue_dma source(%dma_start3A_408 : memref<256xi32, #tpu.memory_space<hbm>>) target(%arg5 : memref<256xi32, #tpu.memory_space<vmem>>) target_semaphore(%run_scoped3A : memref<!tpu.dma_semaphore, #tpu.memory_space<semaphore_mem>>)
      %dma_wait3A_409 = tpu.memref_slice %arg2[%add3A_4] : memref<65536xi32, #tpu.memory_space<hbm>> -> memref<256xi32, #tpu.memory_space<hbm>>
      %dma_wait3A_410 = tpu.memref_slice %arg2[%add3A_4] : memref<65536xi32, #tpu.memory_space<hbm>> -> memref<256xi32, #tpu.memory_space<hbm>>
      tpu.wait_dma2 semaphore(%run_scoped3A : memref<!tpu.dma_semaphore, #tpu.memory_space<semaphore_mem>>) src(%dma_wait3A_410 : memref<256xi32, #tpu.memory_space<hbm>>) dst(%arg5 : memref<256xi32, #tpu.memory_space<vmem>>)
      tpu.yield
    }) : () -> ()
    %add3A_5 = arith.constant 8192 : i32
    %add3A_6 = arith.addi %add3A_5, %mul3A_2 : i32
    "tpu.region"() ({
      %run_scoped3A = tpu.sem_alloc : memref<!tpu.dma_semaphore, #tpu.memory_space<semaphore_mem>>
      %dma_start3A_407 = tpu.memref_slice %arg2[%add3A_6] : memref<65536xi32, #tpu.memory_space<hbm>> -> memref<256xi32, #tpu.memory_space<hbm>>
      %dma_start3A_408 = tpu.memref_slice %arg2[%add3A_6] : memref<65536xi32, #tpu.memory_space<hbm>> -> memref<256xi32, #tpu.memory_space<hbm>>
      tpu.enqueue_dma source(%dma_start3A_408 : memref<256xi32, #tpu.memory_space<hbm>>) target(%arg6 : memref<256xi32, #tpu.memory_space<vmem>>) target_semaphore(%run_scoped3A : memref<!tpu.dma_semaphore, #tpu.memory_space<semaphore_mem>>)
      %dma_wait3A_409 = tpu.memref_slice %arg2[%add3A_6] : memref<65536xi32, #tpu.memory_space<hbm>> -> memref<256xi32, #tpu.memory_space<hbm>>
      %dma_wait3A_410 = tpu.memref_slice %arg2[%add3A_6] : memref<65536xi32, #tpu.memory_space<hbm>> -> memref<256xi32, #tpu.memory_space<hbm>>
      tpu.wait_dma2 semaphore(%run_scoped3A : memref<!tpu.dma_semaphore, #tpu.memory_space<semaphore_mem>>) src(%dma_wait3A_410 : memref<256xi32, #tpu.memory_space<hbm>>) dst(%arg6 : memref<256xi32, #tpu.memory_space<vmem>>)
      tpu.yield
    }) : () -> ()
    %add3A_7 = arith.constant 16384 : i32
    %add3A_8 = arith.addi %add3A_7, %mul3A_2 : i32
    "tpu.region"() ({
      %run_scoped3A = tpu.sem_alloc : memref<!tpu.dma_semaphore, #tpu.memory_space<semaphore_mem>>
      %dma_start3A_407 = tpu.memref_slice %arg2[%add3A_8] : memref<65536xi32, #tpu.memory_space<hbm>> -> memref<256xi32, #tpu.memory_space<hbm>>
      %dma_start3A_408 = tpu.memref_slice %arg2[%add3A_8] : memref<65536xi32, #tpu.memory_space<hbm>> -> memref<256xi32, #tpu.memory_space<hbm>>
      tpu.enqueue_dma source(%dma_start3A_408 : memref<256xi32, #tpu.memory_space<hbm>>) target(%arg7 : memref<256xi32, #tpu.memory_space<vmem>>) target_semaphore(%run_scoped3A : memref<!tpu.dma_semaphore, #tpu.memory_space<semaphore_mem>>)
      %dma_wait3A_409 = tpu.memref_slice %arg2[%add3A_8] : memref<65536xi32, #tpu.memory_space<hbm>> -> memref<256xi32, #tpu.memory_space<hbm>>
      %dma_wait3A_410 = tpu.memref_slice %arg2[%add3A_8] : memref<65536xi32, #tpu.memory_space<hbm>> -> memref<256xi32, #tpu.memory_space<hbm>>
      tpu.wait_dma2 semaphore(%run_scoped3A : memref<!tpu.dma_semaphore, #tpu.memory_space<semaphore_mem>>) src(%dma_wait3A_410 : memref<256xi32, #tpu.memory_space<hbm>>) dst(%arg7 : memref<256xi32, #tpu.memory_space<vmem>>)
      tpu.yield
    }) : () -> ()
    %dma_start3A = arith.constant 0 : i32
    %dma_start3A_9 = tpu.memref_slice %arg5[%dma_start3A] : memref<256xi32, #tpu.memory_space<vmem>> -> memref<32xi32, #tpu.memory_space<vmem>>
    %dma_start3A_10 = arith.constant 0 : i32
    %dma_start3A_11 = arith.constant 0 : i32
    %dma_start3A_12 = arith.constant 0 : i32
    %dma_start3A_13 = tpu.memref_slice %arg3[%dma_start3A_10, %dma_start3A_11, %dma_start3A_12] : memref<1536x8x128xf32, #tpu.memory_space<hbm>> -> memref<1536x8x128xf32, #tpu.memory_space<hbm>>
    tpu.enqueue_indirect_dma source(%dma_start3A_13 : memref<1536x8x128xf32, #tpu.memory_space<hbm>>) target(%arg8 : memref<32x8x128xf32, #tpu.memory_space<vmem>>) offsets(%dma_start3A_9 : memref<32xi32, #tpu.memory_space<vmem>>) semaphore(%arg10 : memref<!tpu.dma_semaphore, #tpu.memory_space<semaphore_mem>>)
    %dma_wait3A = arith.constant 0 : i32
    %dma_wait3A_14 = tpu.memref_slice %arg5[%dma_wait3A] : memref<256xi32, #tpu.memory_space<vmem>> -> memref<32xi32, #tpu.memory_space<vmem>>
    %dma_wait3A_15 = arith.constant 0 : i32
    %dma_wait3A_16 = arith.constant 0 : i32
    %dma_wait3A_17 = arith.constant 0 : i32
    %dma_wait3A_18 = tpu.memref_slice %arg3[%dma_wait3A_15, %dma_wait3A_16, %dma_wait3A_17] : memref<1536x8x128xf32, #tpu.memory_space<hbm>> -> memref<1536x8x128xf32, #tpu.memory_space<hbm>>
    tpu.wait_indirect_dma semaphore(%arg10 : memref<!tpu.dma_semaphore, #tpu.memory_space<semaphore_mem>>) src(%dma_wait3A_18 : memref<1536x8x128xf32, #tpu.memory_space<hbm>>) dst(%arg8 : memref<32x8x128xf32, #tpu.memory_space<vmem>>)
    %dma_start3A_19 = arith.constant 0 : i32
    %dma_start3A_20 = tpu.memref_slice %arg6[%dma_start3A_19] : memref<256xi32, #tpu.memory_space<vmem>> -> memref<32xi32, #tpu.memory_space<vmem>>
    %dma_start3A_21 = arith.constant 0 : i32
    %dma_start3A_22 = arith.constant 0 : i32
    %dma_start3A_23 = arith.constant 0 : i32
    %dma_start3A_24 = tpu.memref_slice %arg3[%dma_start3A_21, %dma_start3A_22, %dma_start3A_23] : memref<1536x8x128xf32, #tpu.memory_space<hbm>> -> memref<1536x8x128xf32, #tpu.memory_space<hbm>>
    tpu.enqueue_indirect_dma source(%dma_start3A_24 : memref<1536x8x128xf32, #tpu.memory_space<hbm>>) target(%arg8 : memref<32x8x128xf32, #tpu.memory_space<vmem>>) offsets(%dma_start3A_20 : memref<32xi32, #tpu.memory_space<vmem>>) semaphore(%arg11 : memref<!tpu.dma_semaphore, #tpu.memory_space<semaphore_mem>>) {add = true}
    %dma_start3A_25 = arith.constant 0 : i32
    %dma_start3A_26 = tpu.memref_slice %arg7[%dma_start3A_25] : memref<256xi32, #tpu.memory_space<vmem>> -> memref<32xi32, #tpu.memory_space<vmem>>
    %dma_start3A_27 = arith.constant 0 : i32
    %dma_start3A_28 = arith.constant 0 : i32
    %dma_start3A_29 = arith.constant 0 : i32
    %dma_start3A_30 = tpu.memref_slice %arg3[%dma_start3A_27, %dma_start3A_28, %dma_start3A_29] : memref<1536x8x128xf32, #tpu.memory_space<hbm>> -> memref<1536x8x128xf32, #tpu.memory_space<hbm>>
    tpu.enqueue_indirect_dma source(%dma_start3A_30 : memref<1536x8x128xf32, #tpu.memory_space<hbm>>) target(%arg8 : memref<32x8x128xf32, #tpu.memory_space<vmem>>) offsets(%dma_start3A_26 : memref<32xi32, #tpu.memory_space<vmem>>) semaphore(%arg11 : memref<!tpu.dma_semaphore, #tpu.memory_space<semaphore_mem>>) {add = true}
    %dma_start3A_31 = arith.constant 32 : i32
    %dma_start3A_32 = tpu.memref_slice %arg5[%dma_start3A_31] : memref<256xi32, #tpu.memory_space<vmem>> -> memref<32xi32, #tpu.memory_space<vmem>>
    %dma_start3A_33 = arith.constant 0 : i32
    %dma_start3A_34 = arith.constant 0 : i32
    %dma_start3A_35 = arith.constant 0 : i32
    %dma_start3A_36 = tpu.memref_slice %arg3[%dma_start3A_33, %dma_start3A_34, %dma_start3A_35] : memref<1536x8x128xf32, #tpu.memory_space<hbm>> -> memref<1536x8x128xf32, #tpu.memory_space<hbm>>
    tpu.enqueue_indirect_dma source(%dma_start3A_36 : memref<1536x8x128xf32, #tpu.memory_space<hbm>>) target(%arg9 : memref<32x8x128xf32, #tpu.memory_space<vmem>>) offsets(%dma_start3A_32 : memref<32xi32, #tpu.memory_space<vmem>>) semaphore(%arg10 : memref<!tpu.dma_semaphore, #tpu.memory_space<semaphore_mem>>)
    %dma_wait3A_37 = arith.constant 0 : i32
    %dma_wait3A_38 = tpu.memref_slice %arg6[%dma_wait3A_37] : memref<256xi32, #tpu.memory_space<vmem>> -> memref<32xi32, #tpu.memory_space<vmem>>
    %dma_wait3A_39 = arith.constant 0 : i32
    %dma_wait3A_40 = arith.constant 0 : i32
    %dma_wait3A_41 = arith.constant 0 : i32
    %dma_wait3A_42 = tpu.memref_slice %arg3[%dma_wait3A_39, %dma_wait3A_40, %dma_wait3A_41] : memref<1536x8x128xf32, #tpu.memory_space<hbm>> -> memref<1536x8x128xf32, #tpu.memory_space<hbm>>
    tpu.wait_indirect_dma semaphore(%arg11 : memref<!tpu.dma_semaphore, #tpu.memory_space<semaphore_mem>>) src(%dma_wait3A_42 : memref<1536x8x128xf32, #tpu.memory_space<hbm>>) dst(%arg8 : memref<32x8x128xf32, #tpu.memory_space<vmem>>)
    %dma_wait3A_43 = arith.constant 0 : i32
    %dma_wait3A_44 = tpu.memref_slice %arg7[%dma_wait3A_43] : memref<256xi32, #tpu.memory_space<vmem>> -> memref<32xi32, #tpu.memory_space<vmem>>
    %dma_wait3A_45 = arith.constant 0 : i32
    %dma_wait3A_46 = arith.constant 0 : i32
    %dma_wait3A_47 = arith.constant 0 : i32
    %dma_wait3A_48 = tpu.memref_slice %arg3[%dma_wait3A_45, %dma_wait3A_46, %dma_wait3A_47] : memref<1536x8x128xf32, #tpu.memory_space<hbm>> -> memref<1536x8x128xf32, #tpu.memory_space<hbm>>
    tpu.wait_indirect_dma semaphore(%arg11 : memref<!tpu.dma_semaphore, #tpu.memory_space<semaphore_mem>>) src(%dma_wait3A_48 : memref<1536x8x128xf32, #tpu.memory_space<hbm>>) dst(%arg8 : memref<32x8x128xf32, #tpu.memory_space<vmem>>)
    %add3A_49 = arith.constant 0 : i32
    %add3A_50 = arith.addi %mul3A_2, %add3A_49 : i32
    %dma_start3A_51 = arith.constant 0 : i32
    %dma_start3A_52 = arith.constant 0 : i32
    %dma_start3A_53 = tpu.memref_slice %arg4[%add3A_50, %dma_start3A_51, %dma_start3A_52] : memref<8192x8x128xf32, #tpu.memory_space<hbm>> -> memref<32x8x128xf32, #tpu.memory_space<hbm>>
    %dma_start3A_54 = arith.constant 0 : i32
    %dma_start3A_55 = arith.constant 0 : i32
    %dma_start3A_56 = tpu.memref_slice %arg4[%add3A_50, %dma_start3A_54, %dma_start3A_55] : memref<8192x8x128xf32, #tpu.memory_space<hbm>> -> memref<32x8x128xf32, #tpu.memory_space<hbm>>
    tpu.enqueue_dma source(%arg8 : memref<32x8x128xf32, #tpu.memory_space<vmem>>) target(%dma_start3A_56 : memref<32x8x128xf32, #tpu.memory_space<hbm>>) target_semaphore(%arg12 : memref<!tpu.dma_semaphore, #tpu.memory_space<semaphore_mem>>)
    %dma_wait3A_57 = arith.constant 32 : i32
    %dma_wait3A_58 = tpu.memref_slice %arg5[%dma_wait3A_57] : memref<256xi32, #tpu.memory_space<vmem>> -> memref<32xi32, #tpu.memory_space<vmem>>
    %dma_wait3A_59 = arith.constant 0 : i32
    %dma_wait3A_60 = arith.constant 0 : i32
    %dma_wait3A_61 = arith.constant 0 : i32
    %dma_wait3A_62 = tpu.memref_slice %arg3[%dma_wait3A_59, %dma_wait3A_60, %dma_wait3A_61] : memref<1536x8x128xf32, #tpu.memory_space<hbm>> -> memref<1536x8x128xf32, #tpu.memory_space<hbm>>
    tpu.wait_indirect_dma semaphore(%arg10 : memref<!tpu.dma_semaphore, #tpu.memory_space<semaphore_mem>>) src(%dma_wait3A_62 : memref<1536x8x128xf32, #tpu.memory_space<hbm>>) dst(%arg9 : memref<32x8x128xf32, #tpu.memory_space<vmem>>)
    %dma_start3A_63 = arith.constant 32 : i32
    %dma_start3A_64 = tpu.memref_slice %arg6[%dma_start3A_63] : memref<256xi32, #tpu.memory_space<vmem>> -> memref<32xi32, #tpu.memory_space<vmem>>
    %dma_start3A_65 = arith.constant 0 : i32
    %dma_start3A_66 = arith.constant 0 : i32
    %dma_start3A_67 = arith.constant 0 : i32
    %dma_start3A_68 = tpu.memref_slice %arg3[%dma_start3A_65, %dma_start3A_66, %dma_start3A_67] : memref<1536x8x128xf32, #tpu.memory_space<hbm>> -> memref<1536x8x128xf32, #tpu.memory_space<hbm>>
    tpu.enqueue_indirect_dma source(%dma_start3A_68 : memref<1536x8x128xf32, #tpu.memory_space<hbm>>) target(%arg9 : memref<32x8x128xf32, #tpu.memory_space<vmem>>) offsets(%dma_start3A_64 : memref<32xi32, #tpu.memory_space<vmem>>) semaphore(%arg11 : memref<!tpu.dma_semaphore, #tpu.memory_space<semaphore_mem>>) {add = true}
    %dma_start3A_69 = arith.constant 32 : i32
    %dma_start3A_70 = tpu.memref_slice %arg7[%dma_start3A_69] : memref<256xi32, #tpu.memory_space<vmem>> -> memref<32xi32, #tpu.memory_space<vmem>>
    %dma_start3A_71 = arith.constant 0 : i32
    %dma_start3A_72 = arith.constant 0 : i32
    %dma_start3A_73 = arith.constant 0 : i32
    %dma_start3A_74 = tpu.memref_slice %arg3[%dma_start3A_71, %dma_start3A_72, %dma_start3A_73] : memref<1536x8x128xf32, #tpu.memory_space<hbm>> -> memref<1536x8x128xf32, #tpu.memory_space<hbm>>
    tpu.enqueue_indirect_dma source(%dma_start3A_74 : memref<1536x8x128xf32, #tpu.memory_space<hbm>>) target(%arg9 : memref<32x8x128xf32, #tpu.memory_space<vmem>>) offsets(%dma_start3A_70 : memref<32xi32, #tpu.memory_space<vmem>>) semaphore(%arg11 : memref<!tpu.dma_semaphore, #tpu.memory_space<semaphore_mem>>) {add = true}
    %dma_wait3A_75 = arith.constant 0 : i32
    %dma_wait3A_76 = arith.constant 0 : i32
    %dma_wait3A_77 = tpu.memref_slice %arg4[%add3A_50, %dma_wait3A_75, %dma_wait3A_76] : memref<8192x8x128xf32, #tpu.memory_space<hbm>> -> memref<32x8x128xf32, #tpu.memory_space<hbm>>
    %dma_wait3A_78 = arith.constant 0 : i32
    %dma_wait3A_79 = arith.constant 0 : i32
    %dma_wait3A_80 = tpu.memref_slice %arg4[%add3A_50, %dma_wait3A_78, %dma_wait3A_79] : memref<8192x8x128xf32, #tpu.memory_space<hbm>> -> memref<32x8x128xf32, #tpu.memory_space<hbm>>
    tpu.wait_dma2 semaphore(%arg12 : memref<!tpu.dma_semaphore, #tpu.memory_space<semaphore_mem>>) src(%arg8 : memref<32x8x128xf32, #tpu.memory_space<vmem>>) dst(%dma_wait3A_80 : memref<32x8x128xf32, #tpu.memory_space<hbm>>)
    %dma_start3A_81 = arith.constant 64 : i32
    %dma_start3A_82 = tpu.memref_slice %arg5[%dma_start3A_81] : memref<256xi32, #tpu.memory_space<vmem>> -> memref<32xi32, #tpu.memory_space<vmem>>
    %dma_start3A_83 = arith.constant 0 : i32
    %dma_start3A_84 = arith.constant 0 : i32
    %dma_start3A_85 = arith.constant 0 : i32
    %dma_start3A_86 = tpu.memref_slice %arg3[%dma_start3A_83, %dma_start3A_84, %dma_start3A_85] : memref<1536x8x128xf32, #tpu.memory_space<hbm>> -> memref<1536x8x128xf32, #tpu.memory_space<hbm>>
    tpu.enqueue_indirect_dma source(%dma_start3A_86 : memref<1536x8x128xf32, #tpu.memory_space<hbm>>) target(%arg8 : memref<32x8x128xf32, #tpu.memory_space<vmem>>) offsets(%dma_start3A_82 : memref<32xi32, #tpu.memory_space<vmem>>) semaphore(%arg10 : memref<!tpu.dma_semaphore, #tpu.memory_space<semaphore_mem>>)
    %dma_wait3A_87 = arith.constant 32 : i32
    %dma_wait3A_88 = tpu.memref_slice %arg6[%dma_wait3A_87] : memref<256xi32, #tpu.memory_space<vmem>> -> memref<32xi32, #tpu.memory_space<vmem>>
    %dma_wait3A_89 = arith.constant 0 : i32
    %dma_wait3A_90 = arith.constant 0 : i32
    %dma_wait3A_91 = arith.constant 0 : i32
    %dma_wait3A_92 = tpu.memref_slice %arg3[%dma_wait3A_89, %dma_wait3A_90, %dma_wait3A_91] : memref<1536x8x128xf32, #tpu.memory_space<hbm>> -> memref<1536x8x128xf32, #tpu.memory_space<hbm>>
    tpu.wait_indirect_dma semaphore(%arg11 : memref<!tpu.dma_semaphore, #tpu.memory_space<semaphore_mem>>) src(%dma_wait3A_92 : memref<1536x8x128xf32, #tpu.memory_space<hbm>>) dst(%arg9 : memref<32x8x128xf32, #tpu.memory_space<vmem>>)
    %dma_wait3A_93 = arith.constant 32 : i32
    %dma_wait3A_94 = tpu.memref_slice %arg7[%dma_wait3A_93] : memref<256xi32, #tpu.memory_space<vmem>> -> memref<32xi32, #tpu.memory_space<vmem>>
    %dma_wait3A_95 = arith.constant 0 : i32
    %dma_wait3A_96 = arith.constant 0 : i32
    %dma_wait3A_97 = arith.constant 0 : i32
    %dma_wait3A_98 = tpu.memref_slice %arg3[%dma_wait3A_95, %dma_wait3A_96, %dma_wait3A_97] : memref<1536x8x128xf32, #tpu.memory_space<hbm>> -> memref<1536x8x128xf32, #tpu.memory_space<hbm>>
    tpu.wait_indirect_dma semaphore(%arg11 : memref<!tpu.dma_semaphore, #tpu.memory_space<semaphore_mem>>) src(%dma_wait3A_98 : memref<1536x8x128xf32, #tpu.memory_space<hbm>>) dst(%arg9 : memref<32x8x128xf32, #tpu.memory_space<vmem>>)
    %add3A_99 = arith.constant 32 : i32
    %add3A_100 = arith.addi %mul3A_2, %add3A_99 : i32
    %dma_start3A_101 = arith.constant 0 : i32
    %dma_start3A_102 = arith.constant 0 : i32
    %dma_start3A_103 = tpu.memref_slice %arg4[%add3A_100, %dma_start3A_101, %dma_start3A_102] : memref<8192x8x128xf32, #tpu.memory_space<hbm>> -> memref<32x8x128xf32, #tpu.memory_space<hbm>>
    %dma_start3A_104 = arith.constant 0 : i32
    %dma_start3A_105 = arith.constant 0 : i32
    %dma_start3A_106 = tpu.memref_slice %arg4[%add3A_100, %dma_start3A_104, %dma_start3A_105] : memref<8192x8x128xf32, #tpu.memory_space<hbm>> -> memref<32x8x128xf32, #tpu.memory_space<hbm>>
    tpu.enqueue_dma source(%arg9 : memref<32x8x128xf32, #tpu.memory_space<vmem>>) target(%dma_start3A_106 : memref<32x8x128xf32, #tpu.memory_space<hbm>>) target_semaphore(%arg13 : memref<!tpu.dma_semaphore, #tpu.memory_space<semaphore_mem>>)
    %dma_wait3A_107 = arith.constant 64 : i32
    %dma_wait3A_108 = tpu.memref_slice %arg5[%dma_wait3A_107] : memref<256xi32, #tpu.memory_space<vmem>> -> memref<32xi32, #tpu.memory_space<vmem>>
    %dma_wait3A_109 = arith.constant 0 : i32
    %dma_wait3A_110 = arith.constant 0 : i32
    %dma_wait3A_111 = arith.constant 0 : i32
    %dma_wait3A_112 = tpu.memref_slice %arg3[%dma_wait3A_109, %dma_wait3A_110, %dma_wait3A_111] : memref<1536x8x128xf32, #tpu.memory_space<hbm>> -> memref<1536x8x128xf32, #tpu.memory_space<hbm>>
    tpu.wait_indirect_dma semaphore(%arg10 : memref<!tpu.dma_semaphore, #tpu.memory_space<semaphore_mem>>) src(%dma_wait3A_112 : memref<1536x8x128xf32, #tpu.memory_space<hbm>>) dst(%arg8 : memref<32x8x128xf32, #tpu.memory_space<vmem>>)
    %dma_start3A_113 = arith.constant 64 : i32
    %dma_start3A_114 = tpu.memref_slice %arg6[%dma_start3A_113] : memref<256xi32, #tpu.memory_space<vmem>> -> memref<32xi32, #tpu.memory_space<vmem>>
    %dma_start3A_115 = arith.constant 0 : i32
    %dma_start3A_116 = arith.constant 0 : i32
    %dma_start3A_117 = arith.constant 0 : i32
    %dma_start3A_118 = tpu.memref_slice %arg3[%dma_start3A_115, %dma_start3A_116, %dma_start3A_117] : memref<1536x8x128xf32, #tpu.memory_space<hbm>> -> memref<1536x8x128xf32, #tpu.memory_space<hbm>>
    tpu.enqueue_indirect_dma source(%dma_start3A_118 : memref<1536x8x128xf32, #tpu.memory_space<hbm>>) target(%arg8 : memref<32x8x128xf32, #tpu.memory_space<vmem>>) offsets(%dma_start3A_114 : memref<32xi32, #tpu.memory_space<vmem>>) semaphore(%arg11 : memref<!tpu.dma_semaphore, #tpu.memory_space<semaphore_mem>>) {add = true}
    %dma_start3A_119 = arith.constant 64 : i32
    %dma_start3A_120 = tpu.memref_slice %arg7[%dma_start3A_119] : memref<256xi32, #tpu.memory_space<vmem>> -> memref<32xi32, #tpu.memory_space<vmem>>
    %dma_start3A_121 = arith.constant 0 : i32
    %dma_start3A_122 = arith.constant 0 : i32
    %dma_start3A_123 = arith.constant 0 : i32
    %dma_start3A_124 = tpu.memref_slice %arg3[%dma_start3A_121, %dma_start3A_122, %dma_start3A_123] : memref<1536x8x128xf32, #tpu.memory_space<hbm>> -> memref<1536x8x128xf32, #tpu.memory_space<hbm>>
    tpu.enqueue_indirect_dma source(%dma_start3A_124 : memref<1536x8x128xf32, #tpu.memory_space<hbm>>) target(%arg8 : memref<32x8x128xf32, #tpu.memory_space<vmem>>) offsets(%dma_start3A_120 : memref<32xi32, #tpu.memory_space<vmem>>) semaphore(%arg11 : memref<!tpu.dma_semaphore, #tpu.memory_space<semaphore_mem>>) {add = true}
    %dma_wait3A_125 = arith.constant 0 : i32
    %dma_wait3A_126 = arith.constant 0 : i32
    %dma_wait3A_127 = tpu.memref_slice %arg4[%add3A_100, %dma_wait3A_125, %dma_wait3A_126] : memref<8192x8x128xf32, #tpu.memory_space<hbm>> -> memref<32x8x128xf32, #tpu.memory_space<hbm>>
    %dma_wait3A_128 = arith.constant 0 : i32
    %dma_wait3A_129 = arith.constant 0 : i32
    %dma_wait3A_130 = tpu.memref_slice %arg4[%add3A_100, %dma_wait3A_128, %dma_wait3A_129] : memref<8192x8x128xf32, #tpu.memory_space<hbm>> -> memref<32x8x128xf32, #tpu.memory_space<hbm>>
    tpu.wait_dma2 semaphore(%arg13 : memref<!tpu.dma_semaphore, #tpu.memory_space<semaphore_mem>>) src(%arg9 : memref<32x8x128xf32, #tpu.memory_space<vmem>>) dst(%dma_wait3A_130 : memref<32x8x128xf32, #tpu.memory_space<hbm>>)
    %dma_start3A_131 = arith.constant 96 : i32
    %dma_start3A_132 = tpu.memref_slice %arg5[%dma_start3A_131] : memref<256xi32, #tpu.memory_space<vmem>> -> memref<32xi32, #tpu.memory_space<vmem>>
    %dma_start3A_133 = arith.constant 0 : i32
    %dma_start3A_134 = arith.constant 0 : i32
    %dma_start3A_135 = arith.constant 0 : i32
    %dma_start3A_136 = tpu.memref_slice %arg3[%dma_start3A_133, %dma_start3A_134, %dma_start3A_135] : memref<1536x8x128xf32, #tpu.memory_space<hbm>> -> memref<1536x8x128xf32, #tpu.memory_space<hbm>>
    tpu.enqueue_indirect_dma source(%dma_start3A_136 : memref<1536x8x128xf32, #tpu.memory_space<hbm>>) target(%arg9 : memref<32x8x128xf32, #tpu.memory_space<vmem>>) offsets(%dma_start3A_132 : memref<32xi32, #tpu.memory_space<vmem>>) semaphore(%arg10 : memref<!tpu.dma_semaphore, #tpu.memory_space<semaphore_mem>>)
    %dma_wait3A_137 = arith.constant 64 : i32
    %dma_wait3A_138 = tpu.memref_slice %arg6[%dma_wait3A_137] : memref<256xi32, #tpu.memory_space<vmem>> -> memref<32xi32, #tpu.memory_space<vmem>>
    %dma_wait3A_139 = arith.constant 0 : i32
    %dma_wait3A_140 = arith.constant 0 : i32
    %dma_wait3A_141 = arith.constant 0 : i32
    %dma_wait3A_142 = tpu.memref_slice %arg3[%dma_wait3A_139, %dma_wait3A_140, %dma_wait3A_141] : memref<1536x8x128xf32, #tpu.memory_space<hbm>> -> memref<1536x8x128xf32, #tpu.memory_space<hbm>>
    tpu.wait_indirect_dma semaphore(%arg11 : memref<!tpu.dma_semaphore, #tpu.memory_space<semaphore_mem>>) src(%dma_wait3A_142 : memref<1536x8x128xf32, #tpu.memory_space<hbm>>) dst(%arg8 : memref<32x8x128xf32, #tpu.memory_space<vmem>>)
    %dma_wait3A_143 = arith.constant 64 : i32
    %dma_wait3A_144 = tpu.memref_slice %arg7[%dma_wait3A_143] : memref<256xi32, #tpu.memory_space<vmem>> -> memref<32xi32, #tpu.memory_space<vmem>>
    %dma_wait3A_145 = arith.constant 0 : i32
    %dma_wait3A_146 = arith.constant 0 : i32
    %dma_wait3A_147 = arith.constant 0 : i32
    %dma_wait3A_148 = tpu.memref_slice %arg3[%dma_wait3A_145, %dma_wait3A_146, %dma_wait3A_147] : memref<1536x8x128xf32, #tpu.memory_space<hbm>> -> memref<1536x8x128xf32, #tpu.memory_space<hbm>>
    tpu.wait_indirect_dma semaphore(%arg11 : memref<!tpu.dma_semaphore, #tpu.memory_space<semaphore_mem>>) src(%dma_wait3A_148 : memref<1536x8x128xf32, #tpu.memory_space<hbm>>) dst(%arg8 : memref<32x8x128xf32, #tpu.memory_space<vmem>>)
    %add3A_149 = arith.constant 64 : i32
    %add3A_150 = arith.addi %mul3A_2, %add3A_149 : i32
    %dma_start3A_151 = arith.constant 0 : i32
    %dma_start3A_152 = arith.constant 0 : i32
    %dma_start3A_153 = tpu.memref_slice %arg4[%add3A_150, %dma_start3A_151, %dma_start3A_152] : memref<8192x8x128xf32, #tpu.memory_space<hbm>> -> memref<32x8x128xf32, #tpu.memory_space<hbm>>
    %dma_start3A_154 = arith.constant 0 : i32
    %dma_start3A_155 = arith.constant 0 : i32
    %dma_start3A_156 = tpu.memref_slice %arg4[%add3A_150, %dma_start3A_154, %dma_start3A_155] : memref<8192x8x128xf32, #tpu.memory_space<hbm>> -> memref<32x8x128xf32, #tpu.memory_space<hbm>>
    tpu.enqueue_dma source(%arg8 : memref<32x8x128xf32, #tpu.memory_space<vmem>>) target(%dma_start3A_156 : memref<32x8x128xf32, #tpu.memory_space<hbm>>) target_semaphore(%arg12 : memref<!tpu.dma_semaphore, #tpu.memory_space<semaphore_mem>>)
    %dma_wait3A_157 = arith.constant 96 : i32
    %dma_wait3A_158 = tpu.memref_slice %arg5[%dma_wait3A_157] : memref<256xi32, #tpu.memory_space<vmem>> -> memref<32xi32, #tpu.memory_space<vmem>>
    %dma_wait3A_159 = arith.constant 0 : i32
    %dma_wait3A_160 = arith.constant 0 : i32
    %dma_wait3A_161 = arith.constant 0 : i32
    %dma_wait3A_162 = tpu.memref_slice %arg3[%dma_wait3A_159, %dma_wait3A_160, %dma_wait3A_161] : memref<1536x8x128xf32, #tpu.memory_space<hbm>> -> memref<1536x8x128xf32, #tpu.memory_space<hbm>>
    tpu.wait_indirect_dma semaphore(%arg10 : memref<!tpu.dma_semaphore, #tpu.memory_space<semaphore_mem>>) src(%dma_wait3A_162 : memref<1536x8x128xf32, #tpu.memory_space<hbm>>) dst(%arg9 : memref<32x8x128xf32, #tpu.memory_space<vmem>>)
    %dma_start3A_163 = arith.constant 96 : i32
    %dma_start3A_164 = tpu.memref_slice %arg6[%dma_start3A_163] : memref<256xi32, #tpu.memory_space<vmem>> -> memref<32xi32, #tpu.memory_space<vmem>>
    %dma_start3A_165 = arith.constant 0 : i32
    %dma_start3A_166 = arith.constant 0 : i32
    %dma_start3A_167 = arith.constant 0 : i32
    %dma_start3A_168 = tpu.memref_slice %arg3[%dma_start3A_165, %dma_start3A_166, %dma_start3A_167] : memref<1536x8x128xf32, #tpu.memory_space<hbm>> -> memref<1536x8x128xf32, #tpu.memory_space<hbm>>
    tpu.enqueue_indirect_dma source(%dma_start3A_168 : memref<1536x8x128xf32, #tpu.memory_space<hbm>>) target(%arg9 : memref<32x8x128xf32, #tpu.memory_space<vmem>>) offsets(%dma_start3A_164 : memref<32xi32, #tpu.memory_space<vmem>>) semaphore(%arg11 : memref<!tpu.dma_semaphore, #tpu.memory_space<semaphore_mem>>) {add = true}
    %dma_start3A_169 = arith.constant 96 : i32
    %dma_start3A_170 = tpu.memref_slice %arg7[%dma_start3A_169] : memref<256xi32, #tpu.memory_space<vmem>> -> memref<32xi32, #tpu.memory_space<vmem>>
    %dma_start3A_171 = arith.constant 0 : i32
    %dma_start3A_172 = arith.constant 0 : i32
    %dma_start3A_173 = arith.constant 0 : i32
    %dma_start3A_174 = tpu.memref_slice %arg3[%dma_start3A_171, %dma_start3A_172, %dma_start3A_173] : memref<1536x8x128xf32, #tpu.memory_space<hbm>> -> memref<1536x8x128xf32, #tpu.memory_space<hbm>>
    tpu.enqueue_indirect_dma source(%dma_start3A_174 : memref<1536x8x128xf32, #tpu.memory_space<hbm>>) target(%arg9 : memref<32x8x128xf32, #tpu.memory_space<vmem>>) offsets(%dma_start3A_170 : memref<32xi32, #tpu.memory_space<vmem>>) semaphore(%arg11 : memref<!tpu.dma_semaphore, #tpu.memory_space<semaphore_mem>>) {add = true}
    %dma_wait3A_175 = arith.constant 0 : i32
    %dma_wait3A_176 = arith.constant 0 : i32
    %dma_wait3A_177 = tpu.memref_slice %arg4[%add3A_150, %dma_wait3A_175, %dma_wait3A_176] : memref<8192x8x128xf32, #tpu.memory_space<hbm>> -> memref<32x8x128xf32, #tpu.memory_space<hbm>>
    %dma_wait3A_178 = arith.constant 0 : i32
    %dma_wait3A_179 = arith.constant 0 : i32
    %dma_wait3A_180 = tpu.memref_slice %arg4[%add3A_150, %dma_wait3A_178, %dma_wait3A_179] : memref<8192x8x128xf32, #tpu.memory_space<hbm>> -> memref<32x8x128xf32, #tpu.memory_space<hbm>>
    tpu.wait_dma2 semaphore(%arg12 : memref<!tpu.dma_semaphore, #tpu.memory_space<semaphore_mem>>) src(%arg8 : memref<32x8x128xf32, #tpu.memory_space<vmem>>) dst(%dma_wait3A_180 : memref<32x8x128xf32, #tpu.memory_space<hbm>>)
    %dma_start3A_181 = arith.constant 128 : i32
    %dma_start3A_182 = tpu.memref_slice %arg5[%dma_start3A_181] : memref<256xi32, #tpu.memory_space<vmem>> -> memref<32xi32, #tpu.memory_space<vmem>>
    %dma_start3A_183 = arith.constant 0 : i32
    %dma_start3A_184 = arith.constant 0 : i32
    %dma_start3A_185 = arith.constant 0 : i32
    %dma_start3A_186 = tpu.memref_slice %arg3[%dma_start3A_183, %dma_start3A_184, %dma_start3A_185] : memref<1536x8x128xf32, #tpu.memory_space<hbm>> -> memref<1536x8x128xf32, #tpu.memory_space<hbm>>
    tpu.enqueue_indirect_dma source(%dma_start3A_186 : memref<1536x8x128xf32, #tpu.memory_space<hbm>>) target(%arg8 : memref<32x8x128xf32, #tpu.memory_space<vmem>>) offsets(%dma_start3A_182 : memref<32xi32, #tpu.memory_space<vmem>>) semaphore(%arg10 : memref<!tpu.dma_semaphore, #tpu.memory_space<semaphore_mem>>)
    %dma_wait3A_187 = arith.constant 96 : i32
    %dma_wait3A_188 = tpu.memref_slice %arg6[%dma_wait3A_187] : memref<256xi32, #tpu.memory_space<vmem>> -> memref<32xi32, #tpu.memory_space<vmem>>
    %dma_wait3A_189 = arith.constant 0 : i32
    %dma_wait3A_190 = arith.constant 0 : i32
    %dma_wait3A_191 = arith.constant 0 : i32
    %dma_wait3A_192 = tpu.memref_slice %arg3[%dma_wait3A_189, %dma_wait3A_190, %dma_wait3A_191] : memref<1536x8x128xf32, #tpu.memory_space<hbm>> -> memref<1536x8x128xf32, #tpu.memory_space<hbm>>
    tpu.wait_indirect_dma semaphore(%arg11 : memref<!tpu.dma_semaphore, #tpu.memory_space<semaphore_mem>>) src(%dma_wait3A_192 : memref<1536x8x128xf32, #tpu.memory_space<hbm>>) dst(%arg9 : memref<32x8x128xf32, #tpu.memory_space<vmem>>)
    %dma_wait3A_193 = arith.constant 96 : i32
    %dma_wait3A_194 = tpu.memref_slice %arg7[%dma_wait3A_193] : memref<256xi32, #tpu.memory_space<vmem>> -> memref<32xi32, #tpu.memory_space<vmem>>
    %dma_wait3A_195 = arith.constant 0 : i32
    %dma_wait3A_196 = arith.constant 0 : i32
    %dma_wait3A_197 = arith.constant 0 : i32
    %dma_wait3A_198 = tpu.memref_slice %arg3[%dma_wait3A_195, %dma_wait3A_196, %dma_wait3A_197] : memref<1536x8x128xf32, #tpu.memory_space<hbm>> -> memref<1536x8x128xf32, #tpu.memory_space<hbm>>
    tpu.wait_indirect_dma semaphore(%arg11 : memref<!tpu.dma_semaphore, #tpu.memory_space<semaphore_mem>>) src(%dma_wait3A_198 : memref<1536x8x128xf32, #tpu.memory_space<hbm>>) dst(%arg9 : memref<32x8x128xf32, #tpu.memory_space<vmem>>)
    %add3A_199 = arith.constant 96 : i32
    %add3A_200 = arith.addi %mul3A_2, %add3A_199 : i32
    %dma_start3A_201 = arith.constant 0 : i32
    %dma_start3A_202 = arith.constant 0 : i32
    %dma_start3A_203 = tpu.memref_slice %arg4[%add3A_200, %dma_start3A_201, %dma_start3A_202] : memref<8192x8x128xf32, #tpu.memory_space<hbm>> -> memref<32x8x128xf32, #tpu.memory_space<hbm>>
    %dma_start3A_204 = arith.constant 0 : i32
    %dma_start3A_205 = arith.constant 0 : i32
    %dma_start3A_206 = tpu.memref_slice %arg4[%add3A_200, %dma_start3A_204, %dma_start3A_205] : memref<8192x8x128xf32, #tpu.memory_space<hbm>> -> memref<32x8x128xf32, #tpu.memory_space<hbm>>
    tpu.enqueue_dma source(%arg9 : memref<32x8x128xf32, #tpu.memory_space<vmem>>) target(%dma_start3A_206 : memref<32x8x128xf32, #tpu.memory_space<hbm>>) target_semaphore(%arg13 : memref<!tpu.dma_semaphore, #tpu.memory_space<semaphore_mem>>)
    %dma_wait3A_207 = arith.constant 128 : i32
    %dma_wait3A_208 = tpu.memref_slice %arg5[%dma_wait3A_207] : memref<256xi32, #tpu.memory_space<vmem>> -> memref<32xi32, #tpu.memory_space<vmem>>
    %dma_wait3A_209 = arith.constant 0 : i32
    %dma_wait3A_210 = arith.constant 0 : i32
    %dma_wait3A_211 = arith.constant 0 : i32
    %dma_wait3A_212 = tpu.memref_slice %arg3[%dma_wait3A_209, %dma_wait3A_210, %dma_wait3A_211] : memref<1536x8x128xf32, #tpu.memory_space<hbm>> -> memref<1536x8x128xf32, #tpu.memory_space<hbm>>
    tpu.wait_indirect_dma semaphore(%arg10 : memref<!tpu.dma_semaphore, #tpu.memory_space<semaphore_mem>>) src(%dma_wait3A_212 : memref<1536x8x128xf32, #tpu.memory_space<hbm>>) dst(%arg8 : memref<32x8x128xf32, #tpu.memory_space<vmem>>)
    %dma_start3A_213 = arith.constant 128 : i32
    %dma_start3A_214 = tpu.memref_slice %arg6[%dma_start3A_213] : memref<256xi32, #tpu.memory_space<vmem>> -> memref<32xi32, #tpu.memory_space<vmem>>
    %dma_start3A_215 = arith.constant 0 : i32
    %dma_start3A_216 = arith.constant 0 : i32
    %dma_start3A_217 = arith.constant 0 : i32
    %dma_start3A_218 = tpu.memref_slice %arg3[%dma_start3A_215, %dma_start3A_216, %dma_start3A_217] : memref<1536x8x128xf32, #tpu.memory_space<hbm>> -> memref<1536x8x128xf32, #tpu.memory_space<hbm>>
    tpu.enqueue_indirect_dma source(%dma_start3A_218 : memref<1536x8x128xf32, #tpu.memory_space<hbm>>) target(%arg8 : memref<32x8x128xf32, #tpu.memory_space<vmem>>) offsets(%dma_start3A_214 : memref<32xi32, #tpu.memory_space<vmem>>) semaphore(%arg11 : memref<!tpu.dma_semaphore, #tpu.memory_space<semaphore_mem>>) {add = true}
    %dma_start3A_219 = arith.constant 128 : i32
    %dma_start3A_220 = tpu.memref_slice %arg7[%dma_start3A_219] : memref<256xi32, #tpu.memory_space<vmem>> -> memref<32xi32, #tpu.memory_space<vmem>>
    %dma_start3A_221 = arith.constant 0 : i32
    %dma_start3A_222 = arith.constant 0 : i32
    %dma_start3A_223 = arith.constant 0 : i32
    %dma_start3A_224 = tpu.memref_slice %arg3[%dma_start3A_221, %dma_start3A_222, %dma_start3A_223] : memref<1536x8x128xf32, #tpu.memory_space<hbm>> -> memref<1536x8x128xf32, #tpu.memory_space<hbm>>
    tpu.enqueue_indirect_dma source(%dma_start3A_224 : memref<1536x8x128xf32, #tpu.memory_space<hbm>>) target(%arg8 : memref<32x8x128xf32, #tpu.memory_space<vmem>>) offsets(%dma_start3A_220 : memref<32xi32, #tpu.memory_space<vmem>>) semaphore(%arg11 : memref<!tpu.dma_semaphore, #tpu.memory_space<semaphore_mem>>) {add = true}
    %dma_wait3A_225 = arith.constant 0 : i32
    %dma_wait3A_226 = arith.constant 0 : i32
    %dma_wait3A_227 = tpu.memref_slice %arg4[%add3A_200, %dma_wait3A_225, %dma_wait3A_226] : memref<8192x8x128xf32, #tpu.memory_space<hbm>> -> memref<32x8x128xf32, #tpu.memory_space<hbm>>
    %dma_wait3A_228 = arith.constant 0 : i32
    %dma_wait3A_229 = arith.constant 0 : i32
    %dma_wait3A_230 = tpu.memref_slice %arg4[%add3A_200, %dma_wait3A_228, %dma_wait3A_229] : memref<8192x8x128xf32, #tpu.memory_space<hbm>> -> memref<32x8x128xf32, #tpu.memory_space<hbm>>
    tpu.wait_dma2 semaphore(%arg13 : memref<!tpu.dma_semaphore, #tpu.memory_space<semaphore_mem>>) src(%arg9 : memref<32x8x128xf32, #tpu.memory_space<vmem>>) dst(%dma_wait3A_230 : memref<32x8x128xf32, #tpu.memory_space<hbm>>)
    %dma_start3A_231 = arith.constant 160 : i32
    %dma_start3A_232 = tpu.memref_slice %arg5[%dma_start3A_231] : memref<256xi32, #tpu.memory_space<vmem>> -> memref<32xi32, #tpu.memory_space<vmem>>
    %dma_start3A_233 = arith.constant 0 : i32
    %dma_start3A_234 = arith.constant 0 : i32
    %dma_start3A_235 = arith.constant 0 : i32
    %dma_start3A_236 = tpu.memref_slice %arg3[%dma_start3A_233, %dma_start3A_234, %dma_start3A_235] : memref<1536x8x128xf32, #tpu.memory_space<hbm>> -> memref<1536x8x128xf32, #tpu.memory_space<hbm>>
    tpu.enqueue_indirect_dma source(%dma_start3A_236 : memref<1536x8x128xf32, #tpu.memory_space<hbm>>) target(%arg9 : memref<32x8x128xf32, #tpu.memory_space<vmem>>) offsets(%dma_start3A_232 : memref<32xi32, #tpu.memory_space<vmem>>) semaphore(%arg10 : memref<!tpu.dma_semaphore, #tpu.memory_space<semaphore_mem>>)
    %dma_wait3A_237 = arith.constant 128 : i32
    %dma_wait3A_238 = tpu.memref_slice %arg6[%dma_wait3A_237] : memref<256xi32, #tpu.memory_space<vmem>> -> memref<32xi32, #tpu.memory_space<vmem>>
    %dma_wait3A_239 = arith.constant 0 : i32
    %dma_wait3A_240 = arith.constant 0 : i32
    %dma_wait3A_241 = arith.constant 0 : i32
    %dma_wait3A_242 = tpu.memref_slice %arg3[%dma_wait3A_239, %dma_wait3A_240, %dma_wait3A_241] : memref<1536x8x128xf32, #tpu.memory_space<hbm>> -> memref<1536x8x128xf32, #tpu.memory_space<hbm>>
    tpu.wait_indirect_dma semaphore(%arg11 : memref<!tpu.dma_semaphore, #tpu.memory_space<semaphore_mem>>) src(%dma_wait3A_242 : memref<1536x8x128xf32, #tpu.memory_space<hbm>>) dst(%arg8 : memref<32x8x128xf32, #tpu.memory_space<vmem>>)
    %dma_wait3A_243 = arith.constant 128 : i32
    %dma_wait3A_244 = tpu.memref_slice %arg7[%dma_wait3A_243] : memref<256xi32, #tpu.memory_space<vmem>> -> memref<32xi32, #tpu.memory_space<vmem>>
    %dma_wait3A_245 = arith.constant 0 : i32
    %dma_wait3A_246 = arith.constant 0 : i32
    %dma_wait3A_247 = arith.constant 0 : i32
    %dma_wait3A_248 = tpu.memref_slice %arg3[%dma_wait3A_245, %dma_wait3A_246, %dma_wait3A_247] : memref<1536x8x128xf32, #tpu.memory_space<hbm>> -> memref<1536x8x128xf32, #tpu.memory_space<hbm>>
    tpu.wait_indirect_dma semaphore(%arg11 : memref<!tpu.dma_semaphore, #tpu.memory_space<semaphore_mem>>) src(%dma_wait3A_248 : memref<1536x8x128xf32, #tpu.memory_space<hbm>>) dst(%arg8 : memref<32x8x128xf32, #tpu.memory_space<vmem>>)
    %add3A_249 = arith.constant 128 : i32
    %add3A_250 = arith.addi %mul3A_2, %add3A_249 : i32
    %dma_start3A_251 = arith.constant 0 : i32
    %dma_start3A_252 = arith.constant 0 : i32
    %dma_start3A_253 = tpu.memref_slice %arg4[%add3A_250, %dma_start3A_251, %dma_start3A_252] : memref<8192x8x128xf32, #tpu.memory_space<hbm>> -> memref<32x8x128xf32, #tpu.memory_space<hbm>>
    %dma_start3A_254 = arith.constant 0 : i32
    %dma_start3A_255 = arith.constant 0 : i32
    %dma_start3A_256 = tpu.memref_slice %arg4[%add3A_250, %dma_start3A_254, %dma_start3A_255] : memref<8192x8x128xf32, #tpu.memory_space<hbm>> -> memref<32x8x128xf32, #tpu.memory_space<hbm>>
    tpu.enqueue_dma source(%arg8 : memref<32x8x128xf32, #tpu.memory_space<vmem>>) target(%dma_start3A_256 : memref<32x8x128xf32, #tpu.memory_space<hbm>>) target_semaphore(%arg12 : memref<!tpu.dma_semaphore, #tpu.memory_space<semaphore_mem>>)
    %dma_wait3A_257 = arith.constant 160 : i32
    %dma_wait3A_258 = tpu.memref_slice %arg5[%dma_wait3A_257] : memref<256xi32, #tpu.memory_space<vmem>> -> memref<32xi32, #tpu.memory_space<vmem>>
    %dma_wait3A_259 = arith.constant 0 : i32
    %dma_wait3A_260 = arith.constant 0 : i32
    %dma_wait3A_261 = arith.constant 0 : i32
    %dma_wait3A_262 = tpu.memref_slice %arg3[%dma_wait3A_259, %dma_wait3A_260, %dma_wait3A_261] : memref<1536x8x128xf32, #tpu.memory_space<hbm>> -> memref<1536x8x128xf32, #tpu.memory_space<hbm>>
    tpu.wait_indirect_dma semaphore(%arg10 : memref<!tpu.dma_semaphore, #tpu.memory_space<semaphore_mem>>) src(%dma_wait3A_262 : memref<1536x8x128xf32, #tpu.memory_space<hbm>>) dst(%arg9 : memref<32x8x128xf32, #tpu.memory_space<vmem>>)
    %dma_start3A_263 = arith.constant 160 : i32
    %dma_start3A_264 = tpu.memref_slice %arg6[%dma_start3A_263] : memref<256xi32, #tpu.memory_space<vmem>> -> memref<32xi32, #tpu.memory_space<vmem>>
    %dma_start3A_265 = arith.constant 0 : i32
    %dma_start3A_266 = arith.constant 0 : i32
    %dma_start3A_267 = arith.constant 0 : i32
    %dma_start3A_268 = tpu.memref_slice %arg3[%dma_start3A_265, %dma_start3A_266, %dma_start3A_267] : memref<1536x8x128xf32, #tpu.memory_space<hbm>> -> memref<1536x8x128xf32, #tpu.memory_space<hbm>>
    tpu.enqueue_indirect_dma source(%dma_start3A_268 : memref<1536x8x128xf32, #tpu.memory_space<hbm>>) target(%arg9 : memref<32x8x128xf32, #tpu.memory_space<vmem>>) offsets(%dma_start3A_264 : memref<32xi32, #tpu.memory_space<vmem>>) semaphore(%arg11 : memref<!tpu.dma_semaphore, #tpu.memory_space<semaphore_mem>>) {add = true}
    %dma_start3A_269 = arith.constant 160 : i32
    %dma_start3A_270 = tpu.memref_slice %arg7[%dma_start3A_269] : memref<256xi32, #tpu.memory_space<vmem>> -> memref<32xi32, #tpu.memory_space<vmem>>
    %dma_start3A_271 = arith.constant 0 : i32
    %dma_start3A_272 = arith.constant 0 : i32
    %dma_start3A_273 = arith.constant 0 : i32
    %dma_start3A_274 = tpu.memref_slice %arg3[%dma_start3A_271, %dma_start3A_272, %dma_start3A_273] : memref<1536x8x128xf32, #tpu.memory_space<hbm>> -> memref<1536x8x128xf32, #tpu.memory_space<hbm>>
    tpu.enqueue_indirect_dma source(%dma_start3A_274 : memref<1536x8x128xf32, #tpu.memory_space<hbm>>) target(%arg9 : memref<32x8x128xf32, #tpu.memory_space<vmem>>) offsets(%dma_start3A_270 : memref<32xi32, #tpu.memory_space<vmem>>) semaphore(%arg11 : memref<!tpu.dma_semaphore, #tpu.memory_space<semaphore_mem>>) {add = true}
    %dma_wait3A_275 = arith.constant 0 : i32
    %dma_wait3A_276 = arith.constant 0 : i32
    %dma_wait3A_277 = tpu.memref_slice %arg4[%add3A_250, %dma_wait3A_275, %dma_wait3A_276] : memref<8192x8x128xf32, #tpu.memory_space<hbm>> -> memref<32x8x128xf32, #tpu.memory_space<hbm>>
    %dma_wait3A_278 = arith.constant 0 : i32
    %dma_wait3A_279 = arith.constant 0 : i32
    %dma_wait3A_280 = tpu.memref_slice %arg4[%add3A_250, %dma_wait3A_278, %dma_wait3A_279] : memref<8192x8x128xf32, #tpu.memory_space<hbm>> -> memref<32x8x128xf32, #tpu.memory_space<hbm>>
    tpu.wait_dma2 semaphore(%arg12 : memref<!tpu.dma_semaphore, #tpu.memory_space<semaphore_mem>>) src(%arg8 : memref<32x8x128xf32, #tpu.memory_space<vmem>>) dst(%dma_wait3A_280 : memref<32x8x128xf32, #tpu.memory_space<hbm>>)
    %dma_start3A_281 = arith.constant 192 : i32
    %dma_start3A_282 = tpu.memref_slice %arg5[%dma_start3A_281] : memref<256xi32, #tpu.memory_space<vmem>> -> memref<32xi32, #tpu.memory_space<vmem>>
    %dma_start3A_283 = arith.constant 0 : i32
    %dma_start3A_284 = arith.constant 0 : i32
    %dma_start3A_285 = arith.constant 0 : i32
    %dma_start3A_286 = tpu.memref_slice %arg3[%dma_start3A_283, %dma_start3A_284, %dma_start3A_285] : memref<1536x8x128xf32, #tpu.memory_space<hbm>> -> memref<1536x8x128xf32, #tpu.memory_space<hbm>>
    tpu.enqueue_indirect_dma source(%dma_start3A_286 : memref<1536x8x128xf32, #tpu.memory_space<hbm>>) target(%arg8 : memref<32x8x128xf32, #tpu.memory_space<vmem>>) offsets(%dma_start3A_282 : memref<32xi32, #tpu.memory_space<vmem>>) semaphore(%arg10 : memref<!tpu.dma_semaphore, #tpu.memory_space<semaphore_mem>>)
    %dma_wait3A_287 = arith.constant 160 : i32
    %dma_wait3A_288 = tpu.memref_slice %arg6[%dma_wait3A_287] : memref<256xi32, #tpu.memory_space<vmem>> -> memref<32xi32, #tpu.memory_space<vmem>>
    %dma_wait3A_289 = arith.constant 0 : i32
    %dma_wait3A_290 = arith.constant 0 : i32
    %dma_wait3A_291 = arith.constant 0 : i32
    %dma_wait3A_292 = tpu.memref_slice %arg3[%dma_wait3A_289, %dma_wait3A_290, %dma_wait3A_291] : memref<1536x8x128xf32, #tpu.memory_space<hbm>> -> memref<1536x8x128xf32, #tpu.memory_space<hbm>>
    tpu.wait_indirect_dma semaphore(%arg11 : memref<!tpu.dma_semaphore, #tpu.memory_space<semaphore_mem>>) src(%dma_wait3A_292 : memref<1536x8x128xf32, #tpu.memory_space<hbm>>) dst(%arg9 : memref<32x8x128xf32, #tpu.memory_space<vmem>>)
    %dma_wait3A_293 = arith.constant 160 : i32
    %dma_wait3A_294 = tpu.memref_slice %arg7[%dma_wait3A_293] : memref<256xi32, #tpu.memory_space<vmem>> -> memref<32xi32, #tpu.memory_space<vmem>>
    %dma_wait3A_295 = arith.constant 0 : i32
    %dma_wait3A_296 = arith.constant 0 : i32
    %dma_wait3A_297 = arith.constant 0 : i32
    %dma_wait3A_298 = tpu.memref_slice %arg3[%dma_wait3A_295, %dma_wait3A_296, %dma_wait3A_297] : memref<1536x8x128xf32, #tpu.memory_space<hbm>> -> memref<1536x8x128xf32, #tpu.memory_space<hbm>>
    tpu.wait_indirect_dma semaphore(%arg11 : memref<!tpu.dma_semaphore, #tpu.memory_space<semaphore_mem>>) src(%dma_wait3A_298 : memref<1536x8x128xf32, #tpu.memory_space<hbm>>) dst(%arg9 : memref<32x8x128xf32, #tpu.memory_space<vmem>>)
    %add3A_299 = arith.constant 160 : i32
    %add3A_300 = arith.addi %mul3A_2, %add3A_299 : i32
    %dma_start3A_301 = arith.constant 0 : i32
    %dma_start3A_302 = arith.constant 0 : i32
    %dma_start3A_303 = tpu.memref_slice %arg4[%add3A_300, %dma_start3A_301, %dma_start3A_302] : memref<8192x8x128xf32, #tpu.memory_space<hbm>> -> memref<32x8x128xf32, #tpu.memory_space<hbm>>
    %dma_start3A_304 = arith.constant 0 : i32
    %dma_start3A_305 = arith.constant 0 : i32
    %dma_start3A_306 = tpu.memref_slice %arg4[%add3A_300, %dma_start3A_304, %dma_start3A_305] : memref<8192x8x128xf32, #tpu.memory_space<hbm>> -> memref<32x8x128xf32, #tpu.memory_space<hbm>>
    tpu.enqueue_dma source(%arg9 : memref<32x8x128xf32, #tpu.memory_space<vmem>>) target(%dma_start3A_306 : memref<32x8x128xf32, #tpu.memory_space<hbm>>) target_semaphore(%arg13 : memref<!tpu.dma_semaphore, #tpu.memory_space<semaphore_mem>>)
    %dma_wait3A_307 = arith.constant 192 : i32
    %dma_wait3A_308 = tpu.memref_slice %arg5[%dma_wait3A_307] : memref<256xi32, #tpu.memory_space<vmem>> -> memref<32xi32, #tpu.memory_space<vmem>>
    %dma_wait3A_309 = arith.constant 0 : i32
    %dma_wait3A_310 = arith.constant 0 : i32
    %dma_wait3A_311 = arith.constant 0 : i32
    %dma_wait3A_312 = tpu.memref_slice %arg3[%dma_wait3A_309, %dma_wait3A_310, %dma_wait3A_311] : memref<1536x8x128xf32, #tpu.memory_space<hbm>> -> memref<1536x8x128xf32, #tpu.memory_space<hbm>>
    tpu.wait_indirect_dma semaphore(%arg10 : memref<!tpu.dma_semaphore, #tpu.memory_space<semaphore_mem>>) src(%dma_wait3A_312 : memref<1536x8x128xf32, #tpu.memory_space<hbm>>) dst(%arg8 : memref<32x8x128xf32, #tpu.memory_space<vmem>>)
    %dma_start3A_313 = arith.constant 192 : i32
    %dma_start3A_314 = tpu.memref_slice %arg6[%dma_start3A_313] : memref<256xi32, #tpu.memory_space<vmem>> -> memref<32xi32, #tpu.memory_space<vmem>>
    %dma_start3A_315 = arith.constant 0 : i32
    %dma_start3A_316 = arith.constant 0 : i32
    %dma_start3A_317 = arith.constant 0 : i32
    %dma_start3A_318 = tpu.memref_slice %arg3[%dma_start3A_315, %dma_start3A_316, %dma_start3A_317] : memref<1536x8x128xf32, #tpu.memory_space<hbm>> -> memref<1536x8x128xf32, #tpu.memory_space<hbm>>
    tpu.enqueue_indirect_dma source(%dma_start3A_318 : memref<1536x8x128xf32, #tpu.memory_space<hbm>>) target(%arg8 : memref<32x8x128xf32, #tpu.memory_space<vmem>>) offsets(%dma_start3A_314 : memref<32xi32, #tpu.memory_space<vmem>>) semaphore(%arg11 : memref<!tpu.dma_semaphore, #tpu.memory_space<semaphore_mem>>) {add = true}
    %dma_start3A_319 = arith.constant 192 : i32
    %dma_start3A_320 = tpu.memref_slice %arg7[%dma_start3A_319] : memref<256xi32, #tpu.memory_space<vmem>> -> memref<32xi32, #tpu.memory_space<vmem>>
    %dma_start3A_321 = arith.constant 0 : i32
    %dma_start3A_322 = arith.constant 0 : i32
    %dma_start3A_323 = arith.constant 0 : i32
    %dma_start3A_324 = tpu.memref_slice %arg3[%dma_start3A_321, %dma_start3A_322, %dma_start3A_323] : memref<1536x8x128xf32, #tpu.memory_space<hbm>> -> memref<1536x8x128xf32, #tpu.memory_space<hbm>>
    tpu.enqueue_indirect_dma source(%dma_start3A_324 : memref<1536x8x128xf32, #tpu.memory_space<hbm>>) target(%arg8 : memref<32x8x128xf32, #tpu.memory_space<vmem>>) offsets(%dma_start3A_320 : memref<32xi32, #tpu.memory_space<vmem>>) semaphore(%arg11 : memref<!tpu.dma_semaphore, #tpu.memory_space<semaphore_mem>>) {add = true}
    %dma_wait3A_325 = arith.constant 0 : i32
    %dma_wait3A_326 = arith.constant 0 : i32
    %dma_wait3A_327 = tpu.memref_slice %arg4[%add3A_300, %dma_wait3A_325, %dma_wait3A_326] : memref<8192x8x128xf32, #tpu.memory_space<hbm>> -> memref<32x8x128xf32, #tpu.memory_space<hbm>>
    %dma_wait3A_328 = arith.constant 0 : i32
    %dma_wait3A_329 = arith.constant 0 : i32
    %dma_wait3A_330 = tpu.memref_slice %arg4[%add3A_300, %dma_wait3A_328, %dma_wait3A_329] : memref<8192x8x128xf32, #tpu.memory_space<hbm>> -> memref<32x8x128xf32, #tpu.memory_space<hbm>>
    tpu.wait_dma2 semaphore(%arg13 : memref<!tpu.dma_semaphore, #tpu.memory_space<semaphore_mem>>) src(%arg9 : memref<32x8x128xf32, #tpu.memory_space<vmem>>) dst(%dma_wait3A_330 : memref<32x8x128xf32, #tpu.memory_space<hbm>>)
    %dma_start3A_331 = arith.constant 224 : i32
    %dma_start3A_332 = tpu.memref_slice %arg5[%dma_start3A_331] : memref<256xi32, #tpu.memory_space<vmem>> -> memref<32xi32, #tpu.memory_space<vmem>>
    %dma_start3A_333 = arith.constant 0 : i32
    %dma_start3A_334 = arith.constant 0 : i32
    %dma_start3A_335 = arith.constant 0 : i32
    %dma_start3A_336 = tpu.memref_slice %arg3[%dma_start3A_333, %dma_start3A_334, %dma_start3A_335] : memref<1536x8x128xf32, #tpu.memory_space<hbm>> -> memref<1536x8x128xf32, #tpu.memory_space<hbm>>
    tpu.enqueue_indirect_dma source(%dma_start3A_336 : memref<1536x8x128xf32, #tpu.memory_space<hbm>>) target(%arg9 : memref<32x8x128xf32, #tpu.memory_space<vmem>>) offsets(%dma_start3A_332 : memref<32xi32, #tpu.memory_space<vmem>>) semaphore(%arg10 : memref<!tpu.dma_semaphore, #tpu.memory_space<semaphore_mem>>)
    %dma_wait3A_337 = arith.constant 192 : i32
    %dma_wait3A_338 = tpu.memref_slice %arg6[%dma_wait3A_337] : memref<256xi32, #tpu.memory_space<vmem>> -> memref<32xi32, #tpu.memory_space<vmem>>
    %dma_wait3A_339 = arith.constant 0 : i32
    %dma_wait3A_340 = arith.constant 0 : i32
    %dma_wait3A_341 = arith.constant 0 : i32
    %dma_wait3A_342 = tpu.memref_slice %arg3[%dma_wait3A_339, %dma_wait3A_340, %dma_wait3A_341] : memref<1536x8x128xf32, #tpu.memory_space<hbm>> -> memref<1536x8x128xf32, #tpu.memory_space<hbm>>
    tpu.wait_indirect_dma semaphore(%arg11 : memref<!tpu.dma_semaphore, #tpu.memory_space<semaphore_mem>>) src(%dma_wait3A_342 : memref<1536x8x128xf32, #tpu.memory_space<hbm>>) dst(%arg8 : memref<32x8x128xf32, #tpu.memory_space<vmem>>)
    %dma_wait3A_343 = arith.constant 192 : i32
    %dma_wait3A_344 = tpu.memref_slice %arg7[%dma_wait3A_343] : memref<256xi32, #tpu.memory_space<vmem>> -> memref<32xi32, #tpu.memory_space<vmem>>
    %dma_wait3A_345 = arith.constant 0 : i32
    %dma_wait3A_346 = arith.constant 0 : i32
    %dma_wait3A_347 = arith.constant 0 : i32
    %dma_wait3A_348 = tpu.memref_slice %arg3[%dma_wait3A_345, %dma_wait3A_346, %dma_wait3A_347] : memref<1536x8x128xf32, #tpu.memory_space<hbm>> -> memref<1536x8x128xf32, #tpu.memory_space<hbm>>
    tpu.wait_indirect_dma semaphore(%arg11 : memref<!tpu.dma_semaphore, #tpu.memory_space<semaphore_mem>>) src(%dma_wait3A_348 : memref<1536x8x128xf32, #tpu.memory_space<hbm>>) dst(%arg8 : memref<32x8x128xf32, #tpu.memory_space<vmem>>)
    %add3A_349 = arith.constant 192 : i32
    %add3A_350 = arith.addi %mul3A_2, %add3A_349 : i32
    %dma_start3A_351 = arith.constant 0 : i32
    %dma_start3A_352 = arith.constant 0 : i32
    %dma_start3A_353 = tpu.memref_slice %arg4[%add3A_350, %dma_start3A_351, %dma_start3A_352] : memref<8192x8x128xf32, #tpu.memory_space<hbm>> -> memref<32x8x128xf32, #tpu.memory_space<hbm>>
    %dma_start3A_354 = arith.constant 0 : i32
    %dma_start3A_355 = arith.constant 0 : i32
    %dma_start3A_356 = tpu.memref_slice %arg4[%add3A_350, %dma_start3A_354, %dma_start3A_355] : memref<8192x8x128xf32, #tpu.memory_space<hbm>> -> memref<32x8x128xf32, #tpu.memory_space<hbm>>
    tpu.enqueue_dma source(%arg8 : memref<32x8x128xf32, #tpu.memory_space<vmem>>) target(%dma_start3A_356 : memref<32x8x128xf32, #tpu.memory_space<hbm>>) target_semaphore(%arg12 : memref<!tpu.dma_semaphore, #tpu.memory_space<semaphore_mem>>)
    %dma_wait3A_357 = arith.constant 224 : i32
    %dma_wait3A_358 = tpu.memref_slice %arg5[%dma_wait3A_357] : memref<256xi32, #tpu.memory_space<vmem>> -> memref<32xi32, #tpu.memory_space<vmem>>
    %dma_wait3A_359 = arith.constant 0 : i32
    %dma_wait3A_360 = arith.constant 0 : i32
    %dma_wait3A_361 = arith.constant 0 : i32
    %dma_wait3A_362 = tpu.memref_slice %arg3[%dma_wait3A_359, %dma_wait3A_360, %dma_wait3A_361] : memref<1536x8x128xf32, #tpu.memory_space<hbm>> -> memref<1536x8x128xf32, #tpu.memory_space<hbm>>
    tpu.wait_indirect_dma semaphore(%arg10 : memref<!tpu.dma_semaphore, #tpu.memory_space<semaphore_mem>>) src(%dma_wait3A_362 : memref<1536x8x128xf32, #tpu.memory_space<hbm>>) dst(%arg9 : memref<32x8x128xf32, #tpu.memory_space<vmem>>)
    %dma_start3A_363 = arith.constant 224 : i32
    %dma_start3A_364 = tpu.memref_slice %arg6[%dma_start3A_363] : memref<256xi32, #tpu.memory_space<vmem>> -> memref<32xi32, #tpu.memory_space<vmem>>
    %dma_start3A_365 = arith.constant 0 : i32
    %dma_start3A_366 = arith.constant 0 : i32
    %dma_start3A_367 = arith.constant 0 : i32
    %dma_start3A_368 = tpu.memref_slice %arg3[%dma_start3A_365, %dma_start3A_366, %dma_start3A_367] : memref<1536x8x128xf32, #tpu.memory_space<hbm>> -> memref<1536x8x128xf32, #tpu.memory_space<hbm>>
    tpu.enqueue_indirect_dma source(%dma_start3A_368 : memref<1536x8x128xf32, #tpu.memory_space<hbm>>) target(%arg9 : memref<32x8x128xf32, #tpu.memory_space<vmem>>) offsets(%dma_start3A_364 : memref<32xi32, #tpu.memory_space<vmem>>) semaphore(%arg11 : memref<!tpu.dma_semaphore, #tpu.memory_space<semaphore_mem>>) {add = true}
    %dma_start3A_369 = arith.constant 224 : i32
    %dma_start3A_370 = tpu.memref_slice %arg7[%dma_start3A_369] : memref<256xi32, #tpu.memory_space<vmem>> -> memref<32xi32, #tpu.memory_space<vmem>>
    %dma_start3A_371 = arith.constant 0 : i32
    %dma_start3A_372 = arith.constant 0 : i32
    %dma_start3A_373 = arith.constant 0 : i32
    %dma_start3A_374 = tpu.memref_slice %arg3[%dma_start3A_371, %dma_start3A_372, %dma_start3A_373] : memref<1536x8x128xf32, #tpu.memory_space<hbm>> -> memref<1536x8x128xf32, #tpu.memory_space<hbm>>
    tpu.enqueue_indirect_dma source(%dma_start3A_374 : memref<1536x8x128xf32, #tpu.memory_space<hbm>>) target(%arg9 : memref<32x8x128xf32, #tpu.memory_space<vmem>>) offsets(%dma_start3A_370 : memref<32xi32, #tpu.memory_space<vmem>>) semaphore(%arg11 : memref<!tpu.dma_semaphore, #tpu.memory_space<semaphore_mem>>) {add = true}
    %dma_wait3A_375 = arith.constant 224 : i32
    %dma_wait3A_376 = tpu.memref_slice %arg6[%dma_wait3A_375] : memref<256xi32, #tpu.memory_space<vmem>> -> memref<32xi32, #tpu.memory_space<vmem>>
    %dma_wait3A_377 = arith.constant 0 : i32
    %dma_wait3A_378 = arith.constant 0 : i32
    %dma_wait3A_379 = arith.constant 0 : i32
    %dma_wait3A_380 = tpu.memref_slice %arg3[%dma_wait3A_377, %dma_wait3A_378, %dma_wait3A_379] : memref<1536x8x128xf32, #tpu.memory_space<hbm>> -> memref<1536x8x128xf32, #tpu.memory_space<hbm>>
    tpu.wait_indirect_dma semaphore(%arg11 : memref<!tpu.dma_semaphore, #tpu.memory_space<semaphore_mem>>) src(%dma_wait3A_380 : memref<1536x8x128xf32, #tpu.memory_space<hbm>>) dst(%arg9 : memref<32x8x128xf32, #tpu.memory_space<vmem>>)
    %dma_wait3A_381 = arith.constant 224 : i32
    %dma_wait3A_382 = tpu.memref_slice %arg7[%dma_wait3A_381] : memref<256xi32, #tpu.memory_space<vmem>> -> memref<32xi32, #tpu.memory_space<vmem>>
    %dma_wait3A_383 = arith.constant 0 : i32
    %dma_wait3A_384 = arith.constant 0 : i32
    %dma_wait3A_385 = arith.constant 0 : i32
    %dma_wait3A_386 = tpu.memref_slice %arg3[%dma_wait3A_383, %dma_wait3A_384, %dma_wait3A_385] : memref<1536x8x128xf32, #tpu.memory_space<hbm>> -> memref<1536x8x128xf32, #tpu.memory_space<hbm>>
    tpu.wait_indirect_dma semaphore(%arg11 : memref<!tpu.dma_semaphore, #tpu.memory_space<semaphore_mem>>) src(%dma_wait3A_386 : memref<1536x8x128xf32, #tpu.memory_space<hbm>>) dst(%arg9 : memref<32x8x128xf32, #tpu.memory_space<vmem>>)
    %add3A_387 = arith.constant 224 : i32
    %add3A_388 = arith.addi %mul3A_2, %add3A_387 : i32
    %dma_start3A_389 = arith.constant 0 : i32
    %dma_start3A_390 = arith.constant 0 : i32
    %dma_start3A_391 = tpu.memref_slice %arg4[%add3A_388, %dma_start3A_389, %dma_start3A_390] : memref<8192x8x128xf32, #tpu.memory_space<hbm>> -> memref<32x8x128xf32, #tpu.memory_space<hbm>>
    %dma_start3A_392 = arith.constant 0 : i32
    %dma_start3A_393 = arith.constant 0 : i32
    %dma_start3A_394 = tpu.memref_slice %arg4[%add3A_388, %dma_start3A_392, %dma_start3A_393] : memref<8192x8x128xf32, #tpu.memory_space<hbm>> -> memref<32x8x128xf32, #tpu.memory_space<hbm>>
    tpu.enqueue_dma source(%arg9 : memref<32x8x128xf32, #tpu.memory_space<vmem>>) target(%dma_start3A_394 : memref<32x8x128xf32, #tpu.memory_space<hbm>>) target_semaphore(%arg13 : memref<!tpu.dma_semaphore, #tpu.memory_space<semaphore_mem>>)
    %dma_wait3A_395 = arith.constant 0 : i32
    %dma_wait3A_396 = arith.constant 0 : i32
    %dma_wait3A_397 = tpu.memref_slice %arg4[%add3A_350, %dma_wait3A_395, %dma_wait3A_396] : memref<8192x8x128xf32, #tpu.memory_space<hbm>> -> memref<32x8x128xf32, #tpu.memory_space<hbm>>
    %dma_wait3A_398 = arith.constant 0 : i32
    %dma_wait3A_399 = arith.constant 0 : i32
    %dma_wait3A_400 = tpu.memref_slice %arg4[%add3A_350, %dma_wait3A_398, %dma_wait3A_399] : memref<8192x8x128xf32, #tpu.memory_space<hbm>> -> memref<32x8x128xf32, #tpu.memory_space<hbm>>
    tpu.wait_dma2 semaphore(%arg12 : memref<!tpu.dma_semaphore, #tpu.memory_space<semaphore_mem>>) src(%arg8 : memref<32x8x128xf32, #tpu.memory_space<vmem>>) dst(%dma_wait3A_400 : memref<32x8x128xf32, #tpu.memory_space<hbm>>)
    %dma_wait3A_401 = arith.constant 0 : i32
    %dma_wait3A_402 = arith.constant 0 : i32
    %dma_wait3A_403 = tpu.memref_slice %arg4[%add3A_388, %dma_wait3A_401, %dma_wait3A_402] : memref<8192x8x128xf32, #tpu.memory_space<hbm>> -> memref<32x8x128xf32, #tpu.memory_space<hbm>>
    %dma_wait3A_404 = arith.constant 0 : i32
    %dma_wait3A_405 = arith.constant 0 : i32
    %dma_wait3A_406 = tpu.memref_slice %arg4[%add3A_388, %dma_wait3A_404, %dma_wait3A_405] : memref<8192x8x128xf32, #tpu.memory_space<hbm>> -> memref<32x8x128xf32, #tpu.memory_space<hbm>>
    tpu.wait_dma2 semaphore(%arg13 : memref<!tpu.dma_semaphore, #tpu.memory_space<semaphore_mem>>) src(%arg9 : memref<32x8x128xf32, #tpu.memory_space<vmem>>) dst(%dma_wait3A_406 : memref<32x8x128xf32, #tpu.memory_space<hbm>>)
    return
  }
}

module attributes {stable_mosaic.version = 14 : i64} {
  func.func @_tc_argmax_body(%arg0: i32, %arg1: memref<256x1024xf32, #tpu.memory_space<vmem>>, %arg2: memref<256x1024xf32, #tpu.memory_space<vmem>>, %arg3: memref<3x512x1024xbf16, #tpu.memory_space<vmem>>, %arg4: memref<512x8xf32, #tpu.memory_space<vmem>>, %arg5: memref<8x256xi32, #tpu.memory_space<vmem>>) attributes {dimension_semantics = [#tpu.dimension_semantics<arbitrary>], iteration_bounds = array<i64: 32>, scalar_prefetch = 0 : i64, scratch_operands = 0 : i64, tpu.core_type = #tpu.core_type<tc>, window_params = [{transform_indices = @transform_0, window_bounds = array<i64: 256, 1024>}, {transform_indices = @transform_1, window_bounds = array<i64: 256, 1024>}, {pipeline_mode = #tpu.pipeline_mode<synchronous>, transform_indices = @transform_2, window_bounds = array<i64: 3, 512, 1024>}, {pipeline_mode = #tpu.pipeline_mode<synchronous>, transform_indices = @transform_3, window_bounds = array<i64: 512, 8>}, {transform_indices = @transform_4, window_bounds = array<i64: 8, 256>}]} {
    %mul3A = arith.constant 256 : i32
    %mul3A_0 = arith.muli %arg0, %mul3A : i32
    %jit3A = arith.constant 2048 : i32
    %eq3A = arith.constant 0 : i32
    %eq3A_1 = arith.cmpi eq, %jit3A, %eq3A : i32
    %jit3A_2 = arith.constant 1 : i32
    %select_n3A = arith.select %eq3A_1, %jit3A_2, %jit3A : i32
    %rem3A = arith.remsi %mul3A_0, %select_n3A : i32
    %ne3A = arith.constant 0 : i32
    %ne3A_3 = arith.cmpi ne, %rem3A, %ne3A : i32
    %lt3A = arith.constant 0 : i32
    %lt3A_4 = arith.cmpi slt, %rem3A, %lt3A : i32
    %lt3A_5 = arith.constant 0 : i32
    %lt3A_6 = arith.cmpi slt, %select_n3A, %lt3A_5 : i32
    %ne3A_7 = arith.xori %lt3A_4, %lt3A_6 : i1
    %and3A = arith.andi %ne3A_7, %ne3A_3 : i1
    %add3A = arith.addi %rem3A, %select_n3A : i32
    %select_n3A_8 = arith.select %and3A, %add3A, %rem3A : i32
    %get3A = arith.constant 0 : index
    %get3A_9 = arith.constant 0 : index
    %get3A_10 = vector.load %arg1[%get3A, %get3A_9] : memref<256x1024xf32, #tpu.memory_space<vmem>>, vector<256x1024xf32>
    %get3A_11 = arith.constant 0 : index
    %get3A_12 = arith.constant 0 : index
    %get3A_13 = vector.load %arg2[%get3A_11, %get3A_12] : memref<256x1024xf32, #tpu.memory_space<vmem>>, vector<256x1024xf32>
    %slice3A = vector.extract_strided_slice %get3A_10 {offsets = [254, 0], sizes = [2, 1024], strides = [1, 1]} : vector<256x1024xf32> to vector<2x1024xf32>
    %slice3A_14 = vector.extract_strided_slice %get3A_13 {offsets = [0, 0], sizes = [254, 1024], strides = [1, 1]} : vector<256x1024xf32> to vector<254x1024xf32>
    %concatenate3A = tpu.concatenate %slice3A, %slice3A_14 in 0 : vector<2x1024xf32>, vector<254x1024xf32> -> vector<256x1024xf32>
    %get3A_15 = arith.constant 0 : index
    %get3A_16 = arith.constant 0 : index
    %get3A_17 = arith.constant 0 : index
    %get3A_18 = vector.load %arg3[%get3A_15, %get3A_16, %get3A_17] : memref<3x512x1024xbf16, #tpu.memory_space<vmem>>, vector<1x512x1024xbf16>
    %get3A_19 = vector.shape_cast %get3A_18 : vector<1x512x1024xbf16> to vector<512x1024xbf16>
    %convert_element_type3A = arith.truncf %concatenate3A : vector<256x1024xf32> to vector<256x1024xbf16>
    %dot_general3A = arith.constant dense<0.000000e+00> : vector<512x256xf32>
    %dot_general3A_20 = tpu.matmul %get3A_19, %convert_element_type3A, %dot_general3A {dimension_numbers = #tpu.dot_dimension_numbers<[1], [1], [0], [0], [0, 0, 1, 0], [], []>, transpose_lhs_hint = false} : vector<512x1024xbf16>, vector<256x1024xbf16>, vector<512x256xf32> -> vector<512x256xf32>
    %iota3A = tpu.iota {dimensions = array<i32: 1>} : vector<512x256xi32>
    %add3A_21 = vector.broadcast %select_n3A_8 : i32 to vector<512x256xi32>
    %add3A_22 = arith.addi %iota3A, %add3A_21 : vector<512x256xi32>
    %ge3A = arith.constant 2 : i32
    %ge3A_23 = vector.broadcast %ge3A : i32 to vector<512x256xi32>
    %ge3A_24 = arith.cmpi sge, %add3A_22, %ge3A_23 : vector<512x256xi32>
    %jit3A_25 = arith.constant 0.000000e+00 : f32
    %broadcast_in_dim3A = vector.broadcast %jit3A_25 : f32 to vector<512x256xf32>
    %select_n3A_26 = arith.select %ge3A_24, %dot_general3A_20, %broadcast_in_dim3A : vector<512x256xi1>, vector<512x256xf32>
    %get3A_27 = arith.constant 0 : index
    %get3A_28 = arith.constant 0 : index
    %get3A_29 = vector.load %arg4[%get3A_27, %get3A_28] : memref<512x8xf32, #tpu.memory_space<vmem>>, vector<512x1xf32>
    %add3A_30 = vector.broadcast %get3A_29 : vector<512x1xf32> to vector<512x256xf32>
    %add3A_31 = arith.addf %select_n3A_26, %add3A_30 : vector<512x256xf32>
    %reduce_max3A = arith.constant dense<0xFF800000> : vector<256xf32>
    %reduce_max3A_32 = vector.multi_reduction <maximumf>, %add3A_31, %reduce_max3A [0] : vector<512x256xf32> to vector<256xf32>
    %broadcast_in_dim3A_33 = vector.shape_cast %reduce_max3A_32 : vector<256xf32> to vector<1x256xf32>
    %iota3A_34 = tpu.iota {dimensions = array<i32: 0>} : vector<512x256xi32>
    %eq3A_35 = vector.broadcast %broadcast_in_dim3A_33 : vector<1x256xf32> to vector<512x256xf32>
    %eq3A_36 = arith.cmpf oeq, %add3A_31, %eq3A_35 : vector<512x256xf32>
    %jit3A_37 = arith.constant 512 : i32
    %broadcast_in_dim3A_38 = vector.broadcast %jit3A_37 : i32 to vector<512x256xi32>
    %select_n3A_39 = arith.select %eq3A_36, %iota3A_34, %broadcast_in_dim3A_38 : vector<512x256xi1>, vector<512x256xi32>
    %reduce_min3A = arith.constant dense<2147483647> : vector<256xi32>
    %reduce_min3A_40 = vector.multi_reduction <minsi>, %select_n3A_39, %reduce_min3A [0] : vector<512x256xi32> to vector<256xi32>
    %broadcast_in_dim3A_41 = vector.shape_cast %reduce_min3A_40 : vector<256xi32> to vector<1x256xi32>
    %mul3A_42 = arith.constant 3 : i32
    %mul3A_43 = vector.broadcast %mul3A_42 : i32 to vector<1x256xi32>
    %mul3A_44 = arith.muli %broadcast_in_dim3A_41, %mul3A_43 : vector<1x256xi32>
    %add3A_45 = arith.constant 0 : i32
    %add3A_46 = vector.broadcast %add3A_45 : i32 to vector<1x256xi32>
    %add3A_47 = arith.addi %mul3A_44, %add3A_46 : vector<1x256xi32>
    %slice3A_48 = vector.extract_strided_slice %get3A_10 {offsets = [255, 0], sizes = [1, 1024], strides = [1, 1]} : vector<256x1024xf32> to vector<1x1024xf32>
    %slice3A_49 = vector.extract_strided_slice %get3A_13 {offsets = [0, 0], sizes = [255, 1024], strides = [1, 1]} : vector<256x1024xf32> to vector<255x1024xf32>
    %concatenate3A_50 = tpu.concatenate %slice3A_48, %slice3A_49 in 0 : vector<1x1024xf32>, vector<255x1024xf32> -> vector<256x1024xf32>
    %get3A_51 = arith.constant 1 : index
    %get3A_52 = arith.constant 0 : index
    %get3A_53 = arith.constant 0 : index
    %get3A_54 = vector.load %arg3[%get3A_51, %get3A_52, %get3A_53] : memref<3x512x1024xbf16, #tpu.memory_space<vmem>>, vector<1x512x1024xbf16>
    %get3A_55 = vector.shape_cast %get3A_54 : vector<1x512x1024xbf16> to vector<512x1024xbf16>
    %convert_element_type3A_56 = arith.truncf %concatenate3A_50 : vector<256x1024xf32> to vector<256x1024xbf16>
    %dot_general3A_57 = arith.constant dense<0.000000e+00> : vector<512x256xf32>
    %dot_general3A_58 = tpu.matmul %get3A_55, %convert_element_type3A_56, %dot_general3A_57 {dimension_numbers = #tpu.dot_dimension_numbers<[1], [1], [0], [0], [0, 0, 1, 0], [], []>, transpose_lhs_hint = false} : vector<512x1024xbf16>, vector<256x1024xbf16>, vector<512x256xf32> -> vector<512x256xf32>
    %iota3A_59 = tpu.iota {dimensions = array<i32: 1>} : vector<512x256xi32>
    %add3A_60 = vector.broadcast %select_n3A_8 : i32 to vector<512x256xi32>
    %add3A_61 = arith.addi %iota3A_59, %add3A_60 : vector<512x256xi32>
    %ge3A_62 = arith.constant 1 : i32
    %ge3A_63 = vector.broadcast %ge3A_62 : i32 to vector<512x256xi32>
    %ge3A_64 = arith.cmpi sge, %add3A_61, %ge3A_63 : vector<512x256xi32>
    %jit3A_65 = arith.constant 0.000000e+00 : f32
    %broadcast_in_dim3A_66 = vector.broadcast %jit3A_65 : f32 to vector<512x256xf32>
    %select_n3A_67 = arith.select %ge3A_64, %dot_general3A_58, %broadcast_in_dim3A_66 : vector<512x256xi1>, vector<512x256xf32>
    %get3A_68 = arith.constant 0 : index
    %get3A_69 = arith.constant 1 : index
    %get3A_70 = vector.load %arg4[%get3A_68, %get3A_69] : memref<512x8xf32, #tpu.memory_space<vmem>>, vector<512x1xf32>
    %add3A_71 = vector.broadcast %get3A_70 : vector<512x1xf32> to vector<512x256xf32>
    %add3A_72 = arith.addf %select_n3A_67, %add3A_71 : vector<512x256xf32>
    %reduce_max3A_73 = arith.constant dense<0xFF800000> : vector<256xf32>
    %reduce_max3A_74 = vector.multi_reduction <maximumf>, %add3A_72, %reduce_max3A_73 [0] : vector<512x256xf32> to vector<256xf32>
    %broadcast_in_dim3A_75 = vector.shape_cast %reduce_max3A_74 : vector<256xf32> to vector<1x256xf32>
    %iota3A_76 = tpu.iota {dimensions = array<i32: 0>} : vector<512x256xi32>
    %eq3A_77 = vector.broadcast %broadcast_in_dim3A_75 : vector<1x256xf32> to vector<512x256xf32>
    %eq3A_78 = arith.cmpf oeq, %add3A_72, %eq3A_77 : vector<512x256xf32>
    %jit3A_79 = arith.constant 512 : i32
    %broadcast_in_dim3A_80 = vector.broadcast %jit3A_79 : i32 to vector<512x256xi32>
    %select_n3A_81 = arith.select %eq3A_78, %iota3A_76, %broadcast_in_dim3A_80 : vector<512x256xi1>, vector<512x256xi32>
    %reduce_min3A_82 = arith.constant dense<2147483647> : vector<256xi32>
    %reduce_min3A_83 = vector.multi_reduction <minsi>, %select_n3A_81, %reduce_min3A_82 [0] : vector<512x256xi32> to vector<256xi32>
    %broadcast_in_dim3A_84 = vector.shape_cast %reduce_min3A_83 : vector<256xi32> to vector<1x256xi32>
    %mul3A_85 = arith.constant 3 : i32
    %mul3A_86 = vector.broadcast %mul3A_85 : i32 to vector<1x256xi32>
    %mul3A_87 = arith.muli %broadcast_in_dim3A_84, %mul3A_86 : vector<1x256xi32>
    %add3A_88 = arith.constant 1 : i32
    %add3A_89 = vector.broadcast %add3A_88 : i32 to vector<1x256xi32>
    %add3A_90 = arith.addi %mul3A_87, %add3A_89 : vector<1x256xi32>
    %get3A_91 = arith.constant 2 : index
    %get3A_92 = arith.constant 0 : index
    %get3A_93 = arith.constant 0 : index
    %get3A_94 = vector.load %arg3[%get3A_91, %get3A_92, %get3A_93] : memref<3x512x1024xbf16, #tpu.memory_space<vmem>>, vector<1x512x1024xbf16>
    %get3A_95 = vector.shape_cast %get3A_94 : vector<1x512x1024xbf16> to vector<512x1024xbf16>
    %convert_element_type3A_96 = arith.truncf %get3A_13 : vector<256x1024xf32> to vector<256x1024xbf16>
    %dot_general3A_97 = arith.constant dense<0.000000e+00> : vector<512x256xf32>
    %dot_general3A_98 = tpu.matmul %get3A_95, %convert_element_type3A_96, %dot_general3A_97 {dimension_numbers = #tpu.dot_dimension_numbers<[1], [1], [0], [0], [0, 0, 1, 0], [], []>, transpose_lhs_hint = false} : vector<512x1024xbf16>, vector<256x1024xbf16>, vector<512x256xf32> -> vector<512x256xf32>
    %iota3A_99 = tpu.iota {dimensions = array<i32: 1>} : vector<512x256xi32>
    %add3A_100 = vector.broadcast %select_n3A_8 : i32 to vector<512x256xi32>
    %add3A_101 = arith.addi %iota3A_99, %add3A_100 : vector<512x256xi32>
    %ge3A_102 = arith.constant 0 : i32
    %ge3A_103 = vector.broadcast %ge3A_102 : i32 to vector<512x256xi32>
    %ge3A_104 = arith.cmpi sge, %add3A_101, %ge3A_103 : vector<512x256xi32>
    %jit3A_105 = arith.constant 0.000000e+00 : f32
    %broadcast_in_dim3A_106 = vector.broadcast %jit3A_105 : f32 to vector<512x256xf32>
    %select_n3A_107 = arith.select %ge3A_104, %dot_general3A_98, %broadcast_in_dim3A_106 : vector<512x256xi1>, vector<512x256xf32>
    %get3A_108 = arith.constant 0 : index
    %get3A_109 = arith.constant 2 : index
    %get3A_110 = vector.load %arg4[%get3A_108, %get3A_109] : memref<512x8xf32, #tpu.memory_space<vmem>>, vector<512x1xf32>
    %add3A_111 = vector.broadcast %get3A_110 : vector<512x1xf32> to vector<512x256xf32>
    %add3A_112 = arith.addf %select_n3A_107, %add3A_111 : vector<512x256xf32>
    %reduce_max3A_113 = arith.constant dense<0xFF800000> : vector<256xf32>
    %reduce_max3A_114 = vector.multi_reduction <maximumf>, %add3A_112, %reduce_max3A_113 [0] : vector<512x256xf32> to vector<256xf32>
    %broadcast_in_dim3A_115 = vector.shape_cast %reduce_max3A_114 : vector<256xf32> to vector<1x256xf32>
    %iota3A_116 = tpu.iota {dimensions = array<i32: 0>} : vector<512x256xi32>
    %eq3A_117 = vector.broadcast %broadcast_in_dim3A_115 : vector<1x256xf32> to vector<512x256xf32>
    %eq3A_118 = arith.cmpf oeq, %add3A_112, %eq3A_117 : vector<512x256xf32>
    %jit3A_119 = arith.constant 512 : i32
    %broadcast_in_dim3A_120 = vector.broadcast %jit3A_119 : i32 to vector<512x256xi32>
    %select_n3A_121 = arith.select %eq3A_118, %iota3A_116, %broadcast_in_dim3A_120 : vector<512x256xi1>, vector<512x256xi32>
    %reduce_min3A_122 = arith.constant dense<2147483647> : vector<256xi32>
    %reduce_min3A_123 = vector.multi_reduction <minsi>, %select_n3A_121, %reduce_min3A_122 [0] : vector<512x256xi32> to vector<256xi32>
    %broadcast_in_dim3A_124 = vector.shape_cast %reduce_min3A_123 : vector<256xi32> to vector<1x256xi32>
    %mul3A_125 = arith.constant 3 : i32
    %mul3A_126 = vector.broadcast %mul3A_125 : i32 to vector<1x256xi32>
    %mul3A_127 = arith.muli %broadcast_in_dim3A_124, %mul3A_126 : vector<1x256xi32>
    %add3A_128 = arith.constant 2 : i32
    %add3A_129 = vector.broadcast %add3A_128 : i32 to vector<1x256xi32>
    %add3A_130 = arith.addi %mul3A_127, %add3A_129 : vector<1x256xi32>
    %broadcast_in_dim3A_131 = arith.constant 0 : i32
    %broadcast_in_dim3A_132 = vector.broadcast %broadcast_in_dim3A_131 : i32 to vector<5x256xi32>
    %concatenate3A_133 = tpu.concatenate %add3A_47, %add3A_90, %add3A_130, %broadcast_in_dim3A_132 in 0 : vector<1x256xi32>, vector<1x256xi32>, vector<1x256xi32>, vector<5x256xi32> -> vector<8x256xi32>
    %swap3A = arith.constant 0 : index
    %swap3A_134 = arith.constant 0 : index
    %swap3A_135 = vector.load %arg5[%swap3A, %swap3A_134] : memref<8x256xi32, #tpu.memory_space<vmem>>, vector<8x256xi32>
    tpu.vector_store %arg5[%swap3A, %swap3A_134], %concatenate3A_133 {strides = array<i32>} : memref<8x256xi32, #tpu.memory_space<vmem>>, vector<8x256xi32>,
    return
  }
  func.func @transform_0(%arg0: i32) -> (i32, i32) {
    %sub3A = arith.constant 1 : i32
    %sub3A_0 = arith.subi %arg0, %sub3A : i32
    %max3A = arith.constant 0 : i32
    %max3A_1 = arith.maxsi %sub3A_0, %max3A : i32
    %c0_i32 = arith.constant 0 : i32
    %c0_i32_2 = arith.constant 0 : i32
    return %max3A_1, %c0_i32 : i32, i32
  }
  func.func @transform_1(%arg0: i32) -> (i32, i32) {
    %c0_i32 = arith.constant 0 : i32
    %c0_i32_0 = arith.constant 0 : i32
    return %arg0, %c0_i32 : i32, i32
  }
  func.func @transform_2(%arg0: i32) -> (i32, i32, i32) {
    %c0_i32 = arith.constant 0 : i32
    %c0_i32_0 = arith.constant 0 : i32
    %c0_i32_1 = arith.constant 0 : i32
    %c0_i32_2 = arith.constant 0 : i32
    return %c0_i32, %c0_i32_0, %c0_i32_1 : i32, i32, i32
  }
  func.func @transform_3(%arg0: i32) -> (i32, i32) {
    %c0_i32 = arith.constant 0 : i32
    %c0_i32_0 = arith.constant 0 : i32
    %c0_i32_1 = arith.constant 0 : i32
    return %c0_i32, %c0_i32_0 : i32, i32
  }
  func.func @transform_4(%arg0: i32) -> (i32, i32) {
    %c0_i32 = arith.constant 0 : i32
    %c0_i32_0 = arith.constant 0 : i32
    return %c0_i32, %arg0 : i32, i32
  }
}

</mosaic_0001>

<sc_bundles>
// kernel: kernel.4.cloned.1.call-start
scs
__scs_entry_jumppad:
0x0: {  	(pc) =	sbr.rel $0x88, $3  }
0x1: {  	(tag) =	ssettag $0x0;
	lr =	simm.s32 $0x1  }
0x2: {  	[smem:$0x3F9E] =	sst lr;
	_ =	strace $0xD0000000  }
0x3: {  	_ = 	snop  }
0x4: {  	_ = 	snop  }
0x5: {  	_ = 	snop  }
0x6: {  	_ = 	snop  }
0x7: {  	_ = 	snop  }
__scs_overlays_trampoline_lowered:
0x8: {  	[smem:$0x3FAD] =	sst s0  }
0x9: {  	[smem:$0x3FAE] =	sst s1  }
0xa: {  	[smem:$0x3FAF] =	sst s2  }
0xb: {  	[smem:$0x3FB0] =	sst s3  }
0xc: {  	[smem:$0x3FB1] =	sst s4  }
0xd: {  	[smem:$0x3FB2] =	sst s5  }
0xe: {  	[smem:$0x3FB3] =	sst s6  }
0xf: {  	[smem:$0x3FB4] =	sst s7  }
0x10: {  	[smem:$0x3FB5] =	sst s8  }
0x11: {  	[smem:$0x3FB6] =	sst s9;
	s0 =	simm.s32 @!p0 $0x0  }
0x12: {  	s1 =	sld [smem:$0x3F9C];
	s0 =	simm.s32 @p0 $0x1  }
0x13: {  	[smem:$0x3FB7] =	sst s0;
	s0 =	simm.s32 @!p1 $0x0  }
0x14: {  	s2 =	sld [smem:$0x3F9B];
	s0 =	simm.s32 @p1 $0x1  }
0x15: {  	[smem:$0x3FB8] =	sst s0;
	s0 =	simm.s32 @!p2 $0x0  }
0x16: {  	s3 =	sld [smem:$0x3FDB];
	s0 =	simm.s32 @p2 $0x1  }
0x17: {  	s4 =	simm.s32 $0x1BF5;
	[smem:$0x3FBA] =	sst s0  }
0x18: {  	s0 =	sld [smem:$0x3F9D];
	_ =	swait.ge [sflag:s4], $0x0  }
0x19: {  	s7 =	sld [smem:$0x3F9E]  }
0x1a: {  	s8 =	sadd.s32 $0xFFFFE003, lr  }
0x1b: {  	s9 =	sadd.s32 $0xFFFFFEF7, lr;
	s5 =	simm.s32 $0xFFFFFFFF;
	p2 =	slt.u32 s8, $0xFFFFF086  }
0x1c: {  	p1 =	slt.u32 s9, $0xF7A;
	s5 =	simm.s32 @!p2 $0x0  }
0x1d: {  	s5 =	simm.s32 @p1 $0x1;
	p0 =	seq.s32 s7, s2  }
0x1e: {  	s7 =	smul.u32 @!p0 $0xF7A, s2;
	p2 =	seq.s32 @!p0 s5, $0x0  }
0x1f: {  	s9 =	smul.u32 $0xF7A, s1;
	s8 =	simm.s32 @!p0 $0x1BF5;
	p2 =	por !p2, p0  }
0x20: {  	[sflag:s8] =	ssyncset.s32 @!p0 $0xFFFFF086;
	s6 =	sadd.s32 @!p0 s3, s7;
	s7 =	simm.s32 @!p0 $0x108  }
0x21: {  	s3 =	sadd.s32 s3, s9;
	s6 =	sadd.s32 @!p0 $0x88, s6;
	s7 =	simm.s32 @p2 $0x1082  }
0x22: {  	[simem:s7], [sflag:s8] =	dma.local @!p0 [hbm:s6], $0xF7A  }
0x23: {  	s9 =	sor.u32 $0xD0000000, s2;
	s6 =	simm.s32 $0x108;
	_ =	swait.ge @!p0 [sflag:s8], $0x0  }
0x24: {  	s3 =	sadd.s32 $0x88, s3;
	s6 =	simm.s32 @!p1 $0x1082;
	[sflag:s4] =	ssyncset.s32 $0xFFFFF086  }
0x25: {  	[simem:s6], [sflag:s4] =	dma.local [hbm:s3], $0xF7A  }
0x26: {  	[smem:$0x3F9E] =	sst s1;
	(tag) =	ssettag s2;
	_ =	strace s9  }
0x27: {  	s1 =	sld [smem:$0x3FAE]  }
0x28: {  	s2 =	sld [smem:$0x3FAF]  }
0x29: {  	s4 =	sld [smem:$0x3FB1]  }
0x2a: {  	p0 =	seq.s32 s5, $0x0;
	s5 =	sld [smem:$0x3FB2]  }
0x2b: {  	s6 =	sld [smem:$0x3FB3]  }
0x2c: {  	s7 =	sld [smem:$0x3FB4]  }
0x2d: {  	s3 =	simm.s32 $0x108;
	s8 =	sld [smem:$0x3FB5]  }
0x2e: {  	s3 =	simm.s32 @!p0 $0x1082;
	s9 =	sld [smem:$0x3FB6]  }
0x2f: {  	lr =	sadd.s32 s0, s3;
	s0 =	sld [smem:$0x3FAD]  }
0x30: {  	s3 =	sld [smem:$0x3FB0]  }
0x31: {  	[smem:$0x3FB9] =	sst s10  }
0x32: {  	s10 =	sld [smem:$0x3FB7];
	_ =	sdelay $0x3  }
0x33: {  	p0 =	seq.s32 s10, $0x1;
	s10 =	sld [smem:$0x3FB9];
	_ =	sdelay $0x3  }
0x34: {  	[smem:$0x3FB9] =	sst s10  }
0x35: {  	s10 =	sld [smem:$0x3FB8];
	_ =	sdelay $0x3  }
0x36: {  	p1 =	seq.s32 s10, $0x1;
	s10 =	sld [smem:$0x3FB9];
	_ =	sdelay $0x3  }
0x37: {  	[smem:$0x3FB9] =	sst s10  }
0x38: {  	s10 =	sld [smem:$0x3FBA]  }
0x39: {  	_ = 	snop;
	(pc) =	sbr.ind lr, $3  }
0x3a: {  	_ = 	snop  }
0x3b: {  	_ = 	snop  }
0x3c: {  	p2 =	seq.s32 s10, $0x1;
	s10 =	sld [smem:$0x3FB9]  }
0x3d: {  	_ =	shalt  }
0x3e: {  	_ =	shalt  }
0x3f: {  	_ =	shalt  }
0x40: {  	_ =	shalt  }
0x41: {  	_ =	shalt  }
0x42: {  	_ =	shalt  }
0x43: {  	_ =	shalt  }
0x44: {  	_ =	shalt  }
0x45: {  	_ =	shalt  }
0x46: {  	_ =	shalt  }
0x47: {  	_ =	shalt  }
0x48: {  	_ =	shalt  }
0x49: {  	_ =	shalt  }
0x4a: {  	_ =	shalt  }
0x4b: {  	_ =	shalt  }
0x4c: {  	_ =	shalt  }
0x4d: {  	_ =	shalt  }
0x4e: {  	_ =	shalt  }
0x4f: {  	_ =	shalt  }
0x50: {  	_ =	shalt  }
0x51: {  	_ =	shalt  }
0x52: {  	_ =	shalt  }
0x53: {  	_ =	shalt  }
0x54: {  	_ =	shalt  }
0x55: {  	_ =	shalt  }
0x56: {  	_ =	shalt  }
0x57: {  	_ =	shalt  }
0x58: {  	_ =	shalt  }
0x59: {  	_ =	shalt  }
0x5a: {  	_ =	shalt  }
0x5b: {  	_ =	shalt  }
0x5c: {  	_ =	shalt  }
0x5d: {  	_ =	shalt  }
0x5e: {  	_ =	shalt  }
0x5f: {  	_ =	shalt  }
0x60: {  	_ =	shalt  }
0x61: {  	_ =	shalt  }
0x62: {  	_ =	shalt  }
0x63: {  	_ =	shalt  }
0x64: {  	_ =	shalt  }
0x65: {  	_ =	shalt  }
0x66: {  	_ =	shalt  }
0x67: {  	_ =	shalt  }
0x68: {  	_ =	shalt  }
0x69: {  	_ =	shalt  }
0x6a: {  	_ =	shalt  }
0x6b: {  	_ =	shalt  }
0x6c: {  	_ =	shalt  }
0x6d: {  	_ =	shalt  }
0x6e: {  	_ =	shalt  }
0x6f: {  	_ =	shalt  }
0x70: {  	_ =	shalt  }
0x71: {  	_ =	shalt  }
0x72: {  	_ =	shalt  }
0x73: {  	_ =	shalt  }
0x74: {  	_ =	shalt  }
0x75: {  	_ =	shalt  }
0x76: {  	_ =	shalt  }
0x77: {  	_ =	shalt  }
0x78: {  	_ =	shalt  }
0x79: {  	_ =	shalt  }
0x7a: {  	_ =	shalt  }
0x7b: {  	_ =	shalt  }
0x7c: {  	_ =	shalt  }
0x7d: {  	_ =	shalt  }
0x7e: {  	_ =	shalt  }
0x7f: {  	_ =	shalt  }
0x80: {  	_ =	shalt  }
0x81: {  	_ =	shalt  }
0x82: {  	_ =	shalt  }
0x83: {  	_ =	shalt  }
0x84: {  	_ =	shalt  }
0x85: {  	_ =	shalt  }
0x86: {  	_ =	shalt  }
0x87: {  	_ =	shalt  }
.Lfunc_end0:
.L_simem_size_0:
called_computation_lowered:
.L_overlay_start_0:
0x88: {  	s2 =	sld [smem:$0x3FD9]  }
0x89: {  	s3 =	sld [smem:$0x3FFE];
	_ =	sdelay $0x1  }
0x8a: {  	s1 =	srdreg.scid  }
0x8b: {  	s0 =	sand.u32 $0x1, s1  }
0x8c: {  	s17 =	sshll.u32 s0, $0xA;
	s2 =	sadd.s32 s3, s2  }
0x8d: {  	s2 =	sadd.s32 s2, s17  }
0x8e: {  	[smem:$0x3FC5] =	sst s2  }
0x8f: {  	_ = 	snop  }
0x90: {  	s2 =	sld [smem:$0x3FD0];
	(tm) =	ssettm $0x1  }
0x91: {  	s18 =	sld [smem:$0x3FFB];
	_ =	sdelay $0x3  }
0x92: {  	_ =	strace s18  }
0x93: {  	s3 =	sld [smem:$0x3FFC];
	_ =	sdelay $0x3  }
0x94: {  	_ =	strace s3  }
0x95: {  	s3 =	sld [smem:$0x3FFD];
	_ =	sdelay $0x3  }
0x96: {  	_ =	strace s3  }
0x97: {  	_ =	strace $0x8FFFFFFF  }
0x98: {  	s19 =	sld [smem:$0x3FDB];
	_ =	sdelay $0x1  }
0x99: {  	s4 =	simm.s32 $_scs_section_size  }
0x9a: {  	s5 =	simm.s32 $_size__tile_overlayer_lowered;
	s6 =	simm.s32 $_tile_overlayer_lowered  }
0x9b: {  	s22 =	simm.s32 $0x1BFF;
	s21 =	sshll.u32 s6, $0x1;
	s3 =	sadd.s32 s4, s19  }
0x9c: {  	s7 =	simm.s32 $0x0;
	s20 =	sshll.u32 s5, $0x1;
	s5 =	sadd.s32 s21, s3  }
0x9d: {  	[timem:s7], [sflag:s22] =	dma.local [hbm:s5], s20  }
0x9e: {  	_ =	swait.ge [sflag:s22], s20  }
0x9f: {  	s4 =	ssub.s32 $0x0, s20;
	[sflag:s22] =	ssyncset.done $0x0  }
0xa0: {  	[sflag:s22] =	ssyncadd.s32 s4;
	_ =	sdelay $0x1  }
0xa1: {  	s23 =	simm.s32 $0x1B8B  }
0xa2: {  	_ =	swait.ge [sflag:s23], $0x1  }
0xa3: {  	[sflag:s23] =	ssyncset.done $0x0  }
0xa4: {  	s25 =	simm.s32 $0x1B8E;
	s24 =	sld [smem:$0x3FFE];
	[sflag:s23] =	ssyncadd.s32 $0xFFFFFFFF  }
0xa5: {  	s26 =	simm.s32 $execute0_lowered;
	[smem:$0x3FD2] =	sst s25  }
0xa6: {  	s5 =	sshll.u32 s26, $0x1;
	_ =	strace $0x80000046;
	[dreg:$0x1] =	wrdreg $0xFFFFFFFF  }
0xa7: {  	s28 =	simm.s32 $_size_execute0_lowered;
	s3 =	sadd.s32 s3, s5;
	[dreg:$0x0] =	wrdreg $0x0  }
0xa8: {  	s5 =	sshll.u32 s28, $0x1;
	[dreg:$0x2] =	wrdreg s3  }
0xa9: {  	[dreg:$0x3] =	wrdreg s5  }
0xaa: {  	[dreg:$0x4] =	wrdreg $0xC0  }
0xab: {  	_ =	task [dreg:s7], $0x5FFFF  }
0xac: {  	[dreg:$0x1] =	wrdreg $0xFFFFFFFF  }
0xad: {  	[dreg:$0x0] =	wrdreg $0x60  }
0xae: {  	[dreg:$0x2] =	wrdreg s24  }
0xaf: {  	[dreg:$0x3] =	wrdreg s2  }
0xb0: {  	[dreg:$0x4] =	wrdreg $0x9  }
0xb1: {  	_ =	task.clear_ibuf [dreg:s7], $0x5FFFF;
	_ =	strace $0x90000046  }
0xb2: {  	s29 =	simm.s32 $0x9;
	_ =	strace $0x80000048  }
0xb3: {  	_ =	swait.ge [sflag:s29], $0x1  }
0xb4: {  	[sflag:s29] =	ssyncadd.s32 $0xFFFFFFFF  }
0xb5: {  	_ =	strace $0x90000048  }
0xb6: {  	_ =	sfence  }
0xb7: {  	s30 =	sld [smem:$0x0];
	_ =	sdelay $0x2  }
0xb8: {  	s31 =	sshll.u32 s1, $0xD;
	s1 =	sshrl.u32 s1, $0x2  }
0xb9: {  	s3 =	sand.u32 $0x4000, s31;
	s1 =	sadd.s32 s1, s30  }
0xba: {  	s0 =	sor.u32 s3, s0;
	s1 =	sshll.u32 s1, $0x11  }
0xbb: {  	s0 =	sor.u32 s1, s0  }
0xbc: {  	s0 =	sadd.s32 $0x8F2B, s0  }
0xbd: {  	[sflag:s0] =	ssyncadd.remote.s32 $0x1  }
0xbe: {  	_ =	sfence.sel $0xFFFF  }
0xbf: {  	[dreg:$0x0] =	wrdreg $0xFFFFFFFF;
	(pc) =	sbr.abs _section_cstart, $3  }
0xc0: {  	[dreg:$0x1] =	wrdreg $0xFFFFFFFF  }
0xc1: {  	_ =	task.clear_ibuf [dreg:s7], $0x2FFFF;
	_ =	strace $0x9FFFFFFF  }
0xc2: {  	(tm) =	ssettm $0x7FFFFFFF  }
0xc3: {  	_ =	shalt  }
tec
execute0_lowered:
.L_overlay_start_1:
0x0: {  	(tag) =	ssettag $0x1  }
0x1: {  	s0 =	srdreg.scid  }
0x2: {  	s11 =	stileid.u32;
	s1 =	rddreg [dreg:$0x0]  }
0x3: {  	s3 =	rddreg [dreg:$0x1];
	s31 =	simm.s32 $0x5;
	s29 =	simm.s32 $0x100  }
0x4: {  	s30 =	simm.s32 $0x200;
	s10 =	simm.s32 $0x300;
	s9 =	simm.s32 $0x1  }
0x5: {  	s24 =	simm.s32 $0x120;
	s25 =	simm.s32 $0x220;
	s7 =	simm.s32 $0x2  }
0x6: {  	s26 =	simm.s32 $0x40;
	s28 =	simm.s32 $0x140;
	s0 =	sand.u32 $0x1, s0  }
0x7: {  	s8 =	simm.s32 $0x4;
	s2 =	sshll.u32 s11, $0x9;
	s4 =	sshll.u32 s0, $0x8  }
0x8: {  	p0 =	por $0x0, $0x0;
	s4 =	sor.u32 s4, s2;
	s2 =	simm.s32 $0x0  }
0x9: {  	s12 =	simm.s32 $0x1E0;
	s13 =	simm.s32 $0x2E0;
	[smem:$0x7FF] =	sst s2  }
0xa: {  	s5 =	sshrl.u32 s4, $0x3;
	_ =	strace $0x80000047;
	[dreg:$0xe] =	wrdreg s24  }
0xb: {  	s0 =	ssub.s32 $0x2, s0;
	s5 =	sadd.s32 s5, s1;
	[dreg:$0xf] =	wrdreg s25  }
0xc: {  	s22 =	sshrl.u32 s0, $0x1;
	[dreg:$0x10] =	wrdreg s26;
	s6 =	sadd.s32 $0x800, s5  }
0xd: {  	s4 =	sshll.u32 s4, $0x7;
	s14 =	sadd.s32 $0xC00, s5;
	[dreg:$0x3] =	wrdreg s6  }
0xe: {  	s1 =	sadd.s32 s4, s1;
	s15 =	sadd.s32 $0x1000, s5;
	[dreg:$0x4] =	wrdreg s14  }
0xf: {  	s0 =	ssub.s32 s0, s22;
	s16 =	sadd.s32 $0x2800, s1;
	[dreg:$0x5] =	wrdreg s15  }
0x10: {  	s22 =	simm.s32 $0x280;
	s17 =	sadd.s32 $0x3800, s1;
	[dreg:$0x6] =	wrdreg s16  }
0x11: {  	s0 =	smax.u32 s0, $0x1;
	s18 =	sadd.s32 $0x4800, s1;
	[dreg:$0x7] =	wrdreg s17  }
0x12: {  	s4 =	simm.s32 $0x8300;
	s19 =	sadd.s32 $0x5800, s1;
	[dreg:$0x8] =	wrdreg s18  }
0x13: {  	s26 =	simm.s32 $0x60;
	s20 =	sadd.s32 $0x6800, s1;
	[dreg:$0x9] =	wrdreg s19  }
0x14: {  	s24 =	simm.s32 $0x160;
	s21 =	sadd.s32 $0x7800, s1;
	[dreg:$0xa] =	wrdreg s20  }
0x15: {  	s25 =	simm.s32 $0x260;
	s23 =	sadd.s32 $0x8800, s1;
	[dreg:$0xb] =	wrdreg s21  }
0x16: {  	s1 =	sadd.s32 $0x9800, s1;
	p1 =	sne.s32 s0, $0x1;
	[dreg:$0xc] =	wrdreg s23  }
.Ltmp0:
0x17: {  	s5 =	simm.s32 $0x3;
	[dreg:$0xd] =	wrdreg s1;
	(pc) =	sbr.rel @!p1 .LBB2_1-.Ltmp0, $4  }
0x18: {  	s6 =	simm.s32 $0x20;
	s17 =	simm.s32 $0x240;
	s23 =	simm.s32 $0x80  }
0x19: {  	s21 =	simm.s32 $0x180;
	s20 =	simm.s32 $0xA0;
	s18 =	simm.s32 $0x2A0  }
0x1a: {  	s1 =	sadd.s32 $0xFFFFFFFF, s0;
	s19 =	simm.s32 $0xC0;
	s15 =	simm.s32 $0x1C0  }
0x1b: {  	s16 =	simm.s32 $0x2C0;
	s14 =	simm.s32 $0xE0;
	s0 =	rddreg [dreg:$0x3]  }
0x1c: {  	[tilespmem:s2], [sflag:$0x5] =	stream.linear.gather [hbm4b:s0+s2], $0x100, $0x38;
	[tilespmem:$0x10300] =	vst v63  }
0x1d: {  	_ =	swait.ge [sflag:s31], $0x100  }
0x1e: {  	[sflag:s31] =	ssyncset.done $0x0  }
0x1f: {  	s11 =	rddreg [dreg:$0x4];
	[sflag:s31] =	ssyncadd.s32 $0xFFFFFF00  }
0x20: {  	[tilespmem:s29], [sflag:$0x5] =	stream.linear.gather [hbm4b:s11+s2], $0x100, $0x38;
	[tilespmem:$0x10300] =	vst v63  }
0x21: {  	_ =	swait.ge [sflag:s31], $0x100  }
0x22: {  	[sflag:s31] =	ssyncset.done $0x0  }
0x23: {  	s11 =	rddreg [dreg:$0x5];
	[sflag:s31] =	ssyncadd.s32 $0xFFFFFF00  }
0x24: {  	[tilespmem:s30], [sflag:$0x5] =	stream.linear.gather [hbm4b:s11+s2], $0x100, $0x38;
	[tilespmem:$0x10300] =	vst v63  }
0x25: {  	_ =	swait.ge [sflag:s31], $0x100  }
0x26: {  	[sflag:s31] =	ssyncset.done $0x0  }
0x27: {  	[sflag:s31] =	ssyncadd.s32 $0xFFFFFF00  }
0x28: {  	[tilespmem:s10], [sflag:$0x1] =	stream.indirect.gather [hbm4b:s3+s6], $0x400, s2, s6, $0xb8;
	[tilespmem:$0x10300] =	vst v63  }
0x29: {  	_ =	swait.ge [sflag:s9], $0x8000  }
0x2a: {  	[sflag:s9] =	ssyncset.done $0x0  }
0x2b: {  	[sflag:s9] =	ssyncadd.s32 $0xFFFF8000  }
0x2c: {  	[tilespmem:s10], [sflag:$0x2] =	stream.indirect.gather.add.f32 [hbm:s3], $0x400, s29, s6, $0xb8;
	[tilespmem:$0x10300] =	vst v63  }
0x2d: {  	_ = 	snop  }
0x2e: {  	[tilespmem:s10], [sflag:$0x2] =	stream.indirect.gather.add.f32 [hbm:s3], $0x400, s30, s6, $0xb8;
	[tilespmem:$0x10300] =	vst v63  }
0x2f: {  	_ = 	snop  }
0x30: {  	[tilespmem:s4], [sflag:$0x1] =	stream.indirect.gather [hbm4b:s3+s6], $0x400, s6, s6, $0xb8;
	[tilespmem:$0x10300] =	vst v63  }
0x31: {  	_ =	swait.ge [sflag:s7], $0x8000  }
0x32: {  	[sflag:s7] =	ssyncset.done $0x0  }
0x33: {  	[sflag:s7] =	ssyncadd.s32 $0xFFFF8000  }
0x34: {  	_ =	swait.ge [sflag:s7], $0x8000  }
0x35: {  	[sflag:s7] =	ssyncset.done $0x0  }
0x36: {  	s11 =	rddreg [dreg:$0x6];
	[sflag:s7] =	ssyncadd.s32 $0xFFFF8000  }
0x37: {  	[hbm4b:s11+s2] =	stream.linear.scatter [tilespmem:s10], [sflag:$0x3], $0x8000, $0x38;
	[tilespmem:$0x10300] =	vst v63  }
0x38: {  	_ =	swait.ge [sflag:s9], $0x8000  }
0x39: {  	[sflag:s9] =	ssyncset.done $0x0  }
0x3a: {  	s0 =	rddreg [dreg:$0xe];
	[sflag:s9] =	ssyncadd.s32 $0xFFFF8000  }
0x3b: {  	[tilespmem:s4], [sflag:$0x2] =	stream.indirect.gather.add.f32 [hbm:s3], $0x400, s0, s6, $0xb8;
	[tilespmem:$0x10300] =	vst v63  }
0x3c: {  	s11 =	smov.u32 s1;
	s1 =	rddreg [dreg:$0xf]  }
0x3d: {  	[tilespmem:s4], [sflag:$0x2] =	stream.indirect.gather.add.f32 [hbm:s3], $0x400, s1, s6, $0xb8;
	[tilespmem:$0x10300] =	vst v63  }
0x3e: {  	_ =	swait.ge [sflag:s5], $0x8000  }
0x3f: {  	[sflag:s5] =	ssyncset.done $0x0  }
0x40: {  	s1 =	rddreg [dreg:$0x10];
	[sflag:s5] =	ssyncadd.s32 $0xFFFF8000  }
0x41: {  	[tilespmem:s10], [sflag:$0x1] =	stream.indirect.gather [hbm4b:s3+s6], $0x400, s1, s6, $0xb8;
	[tilespmem:$0x10300] =	vst v63  }
0x42: {  	_ =	swait.ge [sflag:s7], $0x8000  }
0x43: {  	[sflag:s7] =	ssyncset.done $0x0  }
0x44: {  	[sflag:s7] =	ssyncadd.s32 $0xFFFF8000  }
0x45: {  	_ =	swait.ge [sflag:s7], $0x8000  }
0x46: {  	[sflag:s7] =	ssyncset.done $0x0  }
0x47: {  	s1 =	rddreg [dreg:$0x7];
	[sflag:s7] =	ssyncadd.s32 $0xFFFF8000  }
0x48: {  	[hbm4b:s1+s2] =	stream.linear.scatter [tilespmem:s4], [sflag:$0x4], $0x8000, $0x38;
	[tilespmem:$0x10300] =	vst v63  }
0x49: {  	_ =	swait.ge [sflag:s9], $0x8000  }
0x4a: {  	[sflag:s9] =	ssyncset.done $0x0  }
0x4b: {  	[sflag:s9] =	ssyncadd.s32 $0xFFFF8000  }
0x4c: {  	[tilespmem:s10], [sflag:$0x2] =	stream.indirect.gather.add.f32 [hbm:s3], $0x400, s28, s6, $0xb8;
	[tilespmem:$0x10300] =	vst v63  }
0x4d: {  	_ = 	snop  }
0x4e: {  	[tilespmem:s10], [sflag:$0x2] =	stream.indirect.gather.add.f32 [hbm:s3], $0x400, s17, s6, $0xb8;
	[tilespmem:$0x10300] =	vst v63  }
0x4f: {  	_ =	swait.ge [sflag:s8], $0x8000  }
0x50: {  	[sflag:s8] =	ssyncset.done $0x0  }
0x51: {  	[sflag:s8] =	ssyncadd.s32 $0xFFFF8000  }
0x52: {  	[tilespmem:s4], [sflag:$0x1] =	stream.indirect.gather [hbm4b:s3+s6], $0x400, s26, s6, $0xb8;
	[tilespmem:$0x10300] =	vst v63  }
0x53: {  	_ =	swait.ge [sflag:s7], $0x8000  }
0x54: {  	[sflag:s7] =	ssyncset.done $0x0  }
0x55: {  	[sflag:s7] =	ssyncadd.s32 $0xFFFF8000  }
0x56: {  	_ =	swait.ge [sflag:s7], $0x8000  }
0x57: {  	[sflag:s7] =	ssyncset.done $0x0  }
0x58: {  	s1 =	rddreg [dreg:$0x8];
	[sflag:s7] =	ssyncadd.s32 $0xFFFF8000  }
0x59: {  	[hbm4b:s1+s2] =	stream.linear.scatter [tilespmem:s10], [sflag:$0x3], $0x8000, $0x38;
	[tilespmem:$0x10300] =	vst v63  }
0x5a: {  	_ =	swait.ge [sflag:s9], $0x8000  }
0x5b: {  	[sflag:s9] =	ssyncset.done $0x0  }
0x5c: {  	[sflag:s9] =	ssyncadd.s32 $0xFFFF8000  }
0x5d: {  	[tilespmem:s4], [sflag:$0x2] =	stream.indirect.gather.add.f32 [hbm:s3], $0x400, s24, s6, $0xb8;
	[tilespmem:$0x10300] =	vst v63  }
0x5e: {  	_ = 	snop  }
0x5f: {  	[tilespmem:s4], [sflag:$0x2] =	stream.indirect.gather.add.f32 [hbm:s3], $0x400, s25, s6, $0xb8;
	[tilespmem:$0x10300] =	vst v63  }
0x60: {  	_ =	swait.ge [sflag:s5], $0x8000  }
0x61: {  	[sflag:s5] =	ssyncset.done $0x0  }
0x62: {  	[sflag:s5] =	ssyncadd.s32 $0xFFFF8000  }
0x63: {  	[tilespmem:s10], [sflag:$0x1] =	stream.indirect.gather [hbm4b:s3+s6], $0x400, s23, s6, $0xb8;
	[tilespmem:$0x10300] =	vst v63  }
0x64: {  	_ =	swait.ge [sflag:s7], $0x8000  }
0x65: {  	[sflag:s7] =	ssyncset.done $0x0  }
0x66: {  	[sflag:s7] =	ssyncadd.s32 $0xFFFF8000  }
0x67: {  	_ =	swait.ge [sflag:s7], $0x8000  }
0x68: {  	[sflag:s7] =	ssyncset.done $0x0  }
0x69: {  	s1 =	rddreg [dreg:$0x9];
	[sflag:s7] =	ssyncadd.s32 $0xFFFF8000  }
0x6a: {  	[hbm4b:s1+s2] =	stream.linear.scatter [tilespmem:s4], [sflag:$0x4], $0x8000, $0x38;
	[tilespmem:$0x10300] =	vst v63  }
0x6b: {  	_ =	swait.ge [sflag:s9], $0x8000  }
0x6c: {  	[sflag:s9] =	ssyncset.done $0x0  }
0x6d: {  	[sflag:s9] =	ssyncadd.s32 $0xFFFF8000  }
0x6e: {  	[tilespmem:s10], [sflag:$0x2] =	stream.indirect.gather.add.f32 [hbm:s3], $0x400, s21, s6, $0xb8;
	[tilespmem:$0x10300] =	vst v63  }
0x6f: {  	_ = 	snop  }
0x70: {  	[tilespmem:s10], [sflag:$0x2] =	stream.indirect.gather.add.f32 [hbm:s3], $0x400, s22, s6, $0xb8;
	[tilespmem:$0x10300] =	vst v63  }
0x71: {  	_ =	swait.ge [sflag:s8], $0x8000  }
0x72: {  	[sflag:s8] =	ssyncset.done $0x0  }
0x73: {  	[sflag:s8] =	ssyncadd.s32 $0xFFFF8000  }
0x74: {  	[tilespmem:s4], [sflag:$0x1] =	stream.indirect.gather [hbm4b:s3+s6], $0x400, s20, s6, $0xb8;
	[tilespmem:$0x10300] =	vst v63  }
0x75: {  	_ =	swait.ge [sflag:s7], $0x8000  }
0x76: {  	[sflag:s7] =	ssyncset.done $0x0  }
0x77: {  	[sflag:s7] =	ssyncadd.s32 $0xFFFF8000  }
0x78: {  	_ =	swait.ge [sflag:s7], $0x8000  }
0x79: {  	[sflag:s7] =	ssyncset.done $0x0  }
0x7a: {  	s1 =	rddreg [dreg:$0xa];
	[sflag:s7] =	ssyncadd.s32 $0xFFFF8000  }
0x7b: {  	[hbm4b:s1+s2] =	stream.linear.scatter [tilespmem:s10], [sflag:$0x3], $0x8000, $0x38;
	[tilespmem:$0x10300] =	vst v63  }
0x7c: {  	_ =	swait.ge [sflag:s9], $0x8000  }
0x7d: {  	[sflag:s9] =	ssyncset.done $0x0  }
0x7e: {  	s1 =	simm.s32 $0x1A0;
	[sflag:s9] =	ssyncadd.s32 $0xFFFF8000  }
0x7f: {  	[tilespmem:s4], [sflag:$0x2] =	stream.indirect.gather.add.f32 [hbm:s3], $0x400, s1, s6, $0xb8;
	[tilespmem:$0x10300] =	vst v63  }
0x80: {  	_ = 	snop  }
0x81: {  	[tilespmem:s4], [sflag:$0x2] =	stream.indirect.gather.add.f32 [hbm:s3], $0x400, s18, s6, $0xb8;
	[tilespmem:$0x10300] =	vst v63  }
0x82: {  	_ =	swait.ge [sflag:s5], $0x8000  }
0x83: {  	[sflag:s5] =	ssyncset.done $0x0  }
0x84: {  	[sflag:s5] =	ssyncadd.s32 $0xFFFF8000  }
0x85: {  	[tilespmem:s10], [sflag:$0x1] =	stream.indirect.gather [hbm4b:s3+s6], $0x400, s19, s6, $0xb8;
	[tilespmem:$0x10300] =	vst v63  }
0x86: {  	_ =	swait.ge [sflag:s7], $0x8000  }
0x87: {  	[sflag:s7] =	ssyncset.done $0x0  }
0x88: {  	[sflag:s7] =	ssyncadd.s32 $0xFFFF8000  }
0x89: {  	_ =	swait.ge [sflag:s7], $0x8000  }
0x8a: {  	[sflag:s7] =	ssyncset.done $0x0  }
0x8b: {  	s1 =	rddreg [dreg:$0xb];
	[sflag:s7] =	ssyncadd.s32 $0xFFFF8000  }
0x8c: {  	[hbm4b:s1+s2] =	stream.linear.scatter [tilespmem:s4], [sflag:$0x4], $0x8000, $0x38;
	[tilespmem:$0x10300] =	vst v63  }
0x8d: {  	_ =	swait.ge [sflag:s9], $0x8000  }
0x8e: {  	[sflag:s9] =	ssyncset.done $0x0  }
0x8f: {  	[sflag:s9] =	ssyncadd.s32 $0xFFFF8000  }
0x90: {  	[tilespmem:s10], [sflag:$0x2] =	stream.indirect.gather.add.f32 [hbm:s3], $0x400, s15, s6, $0xb8;
	[tilespmem:$0x10300] =	vst v63  }
0x91: {  	_ = 	snop  }
0x92: {  	[tilespmem:s10], [sflag:$0x2] =	stream.indirect.gather.add.f32 [hbm:s3], $0x400, s16, s6, $0xb8;
	[tilespmem:$0x10300] =	vst v63  }
0x93: {  	_ =	swait.ge [sflag:s8], $0x8000  }
0x94: {  	[sflag:s8] =	ssyncset.done $0x0  }
0x95: {  	[sflag:s8] =	ssyncadd.s32 $0xFFFF8000  }
0x96: {  	[tilespmem:s4], [sflag:$0x1] =	stream.indirect.gather [hbm4b:s3+s6], $0x400, s14, s6, $0xb8;
	[tilespmem:$0x10300] =	vst v63  }
0x97: {  	_ =	swait.ge [sflag:s7], $0x8000  }
0x98: {  	[sflag:s7] =	ssyncset.done $0x0  }
0x99: {  	[sflag:s7] =	ssyncadd.s32 $0xFFFF8000  }
0x9a: {  	_ =	swait.ge [sflag:s7], $0x8000  }
0x9b: {  	[sflag:s7] =	ssyncset.done $0x0  }
0x9c: {  	s1 =	rddreg [dreg:$0xc];
	[sflag:s7] =	ssyncadd.s32 $0xFFFF8000  }
0x9d: {  	[hbm4b:s1+s2] =	stream.linear.scatter [tilespmem:s10], [sflag:$0x3], $0x8000, $0x38;
	[tilespmem:$0x10300] =	vst v63  }
0x9e: {  	_ =	swait.ge [sflag:s9], $0x8000  }
0x9f: {  	[sflag:s9] =	ssyncset.done $0x0  }
0xa0: {  	[sflag:s9] =	ssyncadd.s32 $0xFFFF8000  }
0xa1: {  	[tilespmem:s4], [sflag:$0x2] =	stream.indirect.gather.add.f32 [hbm:s3], $0x400, s12, s6, $0xb8;
	[tilespmem:$0x10300] =	vst v63  }
0xa2: {  	_ = 	snop  }
0xa3: {  	[tilespmem:s4], [sflag:$0x2] =	stream.indirect.gather.add.f32 [hbm:s3], $0x400, s13, s6, $0xb8;
	[tilespmem:$0x10300] =	vst v63  }
0xa4: {  	_ =	swait.ge [sflag:s7], $0x8000  }
0xa5: {  	[sflag:s7] =	ssyncset.done $0x0  }
0xa6: {  	[sflag:s7] =	ssyncadd.s32 $0xFFFF8000  }
0xa7: {  	_ =	swait.ge [sflag:s7], $0x8000  }
0xa8: {  	[sflag:s7] =	ssyncset.done $0x0  }
0xa9: {  	p1 =	sne.s32 s11, $0x1;
	s1 =	rddreg [dreg:$0xd];
	[sflag:s7] =	ssyncadd.s32 $0xFFFF8000  }
0xaa: {  	[hbm4b:s1+s2] =	stream.linear.scatter [tilespmem:s4], [sflag:$0x4], $0x8000, $0x38;
	[tilespmem:$0x10300] =	vst v63  }
.Ltmp1:
0xab: {  	_ =	swait.ge [sflag:s5], $0x8000;
	(pc) =	sbr.rel @!p1 .LBB2_3-.Ltmp1, $4  }
0xac: {  	[sflag:s5] =	ssyncset.done $0x0  }
0xad: {  	[sflag:s5] =	ssyncadd.s32 $0xFFFF8000  }
0xae: {  	p0 =	por $0x1, $0x1;
	_ =	swait.ge [sflag:s8], $0x8000  }
0xaf: {  	s1 =	sadd.s32 $0xFFFFFFFF, s11;
	s0 =	rddreg [dreg:$0x3];
	[sflag:s8] =	ssyncset.done $0x0  }
.LBB2_4:
0xb0: {  	[sflag:s8] =	ssyncadd.s32 $0xFFFF8000  }
0xb1: {  	[tilespmem:s2], [sflag:$0x5] =	stream.linear.gather [hbm4b:s0+s2], $0x100, $0x38;
	[tilespmem:$0x10300] =	vst v63  }
0xb2: {  	_ =	swait.ge [sflag:s31], $0x100  }
0xb3: {  	[sflag:s31] =	ssyncset.done $0x0  }
0xb4: {  	s11 =	rddreg [dreg:$0x4];
	[sflag:s31] =	ssyncadd.s32 $0xFFFFFF00  }
0xb5: {  	[tilespmem:s29], [sflag:$0x5] =	stream.linear.gather [hbm4b:s11+s2], $0x100, $0x38;
	[tilespmem:$0x10300] =	vst v63  }
0xb6: {  	_ =	swait.ge [sflag:s31], $0x100  }
0xb7: {  	[sflag:s31] =	ssyncset.done $0x0  }
0xb8: {  	s11 =	rddreg [dreg:$0x5];
	[sflag:s31] =	ssyncadd.s32 $0xFFFFFF00  }
0xb9: {  	[tilespmem:s30], [sflag:$0x5] =	stream.linear.gather [hbm4b:s11+s2], $0x100, $0x38;
	[tilespmem:$0x10300] =	vst v63  }
0xba: {  	_ =	swait.ge [sflag:s31], $0x100  }
0xbb: {  	[sflag:s31] =	ssyncset.done $0x0  }
0xbc: {  	[sflag:s31] =	ssyncadd.s32 $0xFFFFFF00  }
0xbd: {  	[tilespmem:s10], [sflag:$0x1] =	stream.indirect.gather [hbm4b:s3+s6], $0x400, s2, s6, $0xb8;
	[tilespmem:$0x10300] =	vst v63  }
0xbe: {  	_ =	swait.ge [sflag:s9], $0x8000  }
0xbf: {  	[sflag:s9] =	ssyncset.done $0x0  }
0xc0: {  	[sflag:s9] =	ssyncadd.s32 $0xFFFF8000  }
0xc1: {  	[tilespmem:s10], [sflag:$0x2] =	stream.indirect.gather.add.f32 [hbm:s3], $0x400, s29, s6, $0xb8;
	[tilespmem:$0x10300] =	vst v63  }
0xc2: {  	_ = 	snop  }
0xc3: {  	[tilespmem:s10], [sflag:$0x2] =	stream.indirect.gather.add.f32 [hbm:s3], $0x400, s30, s6, $0xb8;
	[tilespmem:$0x10300] =	vst v63  }
0xc4: {  	_ = 	snop  }
0xc5: {  	[tilespmem:s4], [sflag:$0x1] =	stream.indirect.gather [hbm4b:s3+s6], $0x400, s6, s6, $0xb8;
	[tilespmem:$0x10300] =	vst v63  }
0xc6: {  	_ =	swait.ge [sflag:s7], $0x8000  }
0xc7: {  	[sflag:s7] =	ssyncset.done $0x0  }
0xc8: {  	[sflag:s7] =	ssyncadd.s32 $0xFFFF8000  }
0xc9: {  	_ =	swait.ge [sflag:s7], $0x8000  }
0xca: {  	[sflag:s7] =	ssyncset.done $0x0  }
0xcb: {  	s11 =	rddreg [dreg:$0x6];
	[sflag:s7] =	ssyncadd.s32 $0xFFFF8000  }
0xcc: {  	[hbm4b:s11+s2] =	stream.linear.scatter [tilespmem:s10], [sflag:$0x3], $0x8000, $0x38;
	[tilespmem:$0x10300] =	vst v63  }
0xcd: {  	_ =	swait.ge [sflag:s9], $0x8000  }
0xce: {  	[sflag:s9] =	ssyncset.done $0x0  }
0xcf: {  	s0 =	rddreg [dreg:$0xe];
	[sflag:s9] =	ssyncadd.s32 $0xFFFF8000  }
0xd0: {  	[tilespmem:s4], [sflag:$0x2] =	stream.indirect.gather.add.f32 [hbm:s3], $0x400, s0, s6, $0xb8;
	[tilespmem:$0x10300] =	vst v63  }
0xd1: {  	s11 =	rddreg [dreg:$0xf]  }
0xd2: {  	[tilespmem:s4], [sflag:$0x2] =	stream.indirect.gather.add.f32 [hbm:s3], $0x400, s11, s6, $0xb8;
	[tilespmem:$0x10300] =	vst v63  }
0xd3: {  	_ =	swait.ge [sflag:s5], $0x8000  }
0xd4: {  	[sflag:s5] =	ssyncset.done $0x0  }
0xd5: {  	s11 =	rddreg [dreg:$0x10];
	[sflag:s5] =	ssyncadd.s32 $0xFFFF8000  }
0xd6: {  	[tilespmem:s10], [sflag:$0x1] =	stream.indirect.gather [hbm4b:s3+s6], $0x400, s11, s6, $0xb8;
	[tilespmem:$0x10300] =	vst v63  }
0xd7: {  	_ =	swait.ge [sflag:s7], $0x8000  }
0xd8: {  	[sflag:s7] =	ssyncset.done $0x0  }
0xd9: {  	[sflag:s7] =	ssyncadd.s32 $0xFFFF8000  }
0xda: {  	_ =	swait.ge [sflag:s7], $0x8000  }
0xdb: {  	[sflag:s7] =	ssyncset.done $0x0  }
0xdc: {  	s11 =	rddreg [dreg:$0x7];
	[sflag:s7] =	ssyncadd.s32 $0xFFFF8000  }
0xdd: {  	[hbm4b:s11+s2] =	stream.linear.scatter [tilespmem:s4], [sflag:$0x4], $0x8000, $0x38;
	[tilespmem:$0x10300] =	vst v63  }
0xde: {  	_ =	swait.ge [sflag:s9], $0x8000  }
0xdf: {  	[sflag:s9] =	ssyncset.done $0x0  }
0xe0: {  	[sflag:s9] =	ssyncadd.s32 $0xFFFF8000  }
0xe1: {  	[tilespmem:s10], [sflag:$0x2] =	stream.indirect.gather.add.f32 [hbm:s3], $0x400, s28, s6, $0xb8;
	[tilespmem:$0x10300] =	vst v63  }
0xe2: {  	_ = 	snop  }
0xe3: {  	[tilespmem:s10], [sflag:$0x2] =	stream.indirect.gather.add.f32 [hbm:s3], $0x400, s17, s6, $0xb8;
	[tilespmem:$0x10300] =	vst v63  }
0xe4: {  	_ =	swait.ge [sflag:s8], $0x8000  }
0xe5: {  	[sflag:s8] =	ssyncset.done $0x0  }
0xe6: {  	[sflag:s8] =	ssyncadd.s32 $0xFFFF8000  }
0xe7: {  	[tilespmem:s4], [sflag:$0x1] =	stream.indirect.gather [hbm4b:s3+s6], $0x400, s26, s6, $0xb8;
	[tilespmem:$0x10300] =	vst v63  }
0xe8: {  	_ =	swait.ge [sflag:s7], $0x8000  }
0xe9: {  	[sflag:s7] =	ssyncset.done $0x0  }
0xea: {  	[sflag:s7] =	ssyncadd.s32 $0xFFFF8000  }
0xeb: {  	_ =	swait.ge [sflag:s7], $0x8000  }
0xec: {  	[sflag:s7] =	ssyncset.done $0x0  }
0xed: {  	s11 =	rddreg [dreg:$0x8];
	[sflag:s7] =	ssyncadd.s32 $0xFFFF8000  }
0xee: {  	[hbm4b:s11+s2] =	stream.linear.scatter [tilespmem:s10], [sflag:$0x3], $0x8000, $0x38;
	[tilespmem:$0x10300] =	vst v63  }
0xef: {  	_ =	swait.ge [sflag:s9], $0x8000  }
0xf0: {  	[sflag:s9] =	ssyncset.done $0x0  }
0xf1: {  	[sflag:s9] =	ssyncadd.s32 $0xFFFF8000  }
0xf2: {  	[tilespmem:s4], [sflag:$0x2] =	stream.indirect.gather.add.f32 [hbm:s3], $0x400, s24, s6, $0xb8;
	[tilespmem:$0x10300] =	vst v63  }
0xf3: {  	_ = 	snop  }
0xf4: {  	[tilespmem:s4], [sflag:$0x2] =	stream.indirect.gather.add.f32 [hbm:s3], $0x400, s25, s6, $0xb8;
	[tilespmem:$0x10300] =	vst v63  }
0xf5: {  	_ =	swait.ge [sflag:s5], $0x8000  }
0xf6: {  	[sflag:s5] =	ssyncset.done $0x0  }
0xf7: {  	[sflag:s5] =	ssyncadd.s32 $0xFFFF8000  }
0xf8: {  	[tilespmem:s10], [sflag:$0x1] =	stream.indirect.gather [hbm4b:s3+s6], $0x400, s23, s6, $0xb8;
	[tilespmem:$0x10300] =	vst v63  }
0xf9: {  	_ =	swait.ge [sflag:s7], $0x8000  }
0xfa: {  	[sflag:s7] =	ssyncset.done $0x0  }
0xfb: {  	[sflag:s7] =	ssyncadd.s32 $0xFFFF8000  }
0xfc: {  	_ =	swait.ge [sflag:s7], $0x8000  }
0xfd: {  	[sflag:s7] =	ssyncset.done $0x0  }
0xfe: {  	s11 =	rddreg [dreg:$0x9];
	[sflag:s7] =	ssyncadd.s32 $0xFFFF8000  }
0xff: {  	[hbm4b:s11+s2] =	stream.linear.scatter [tilespmem:s4], [sflag:$0x4], $0x8000, $0x38;
	[tilespmem:$0x10300] =	vst v63  }
0x100: {  	_ =	swait.ge [sflag:s9], $0x8000  }
0x101: {  	[sflag:s9] =	ssyncset.done $0x0  }
0x102: {  	[sflag:s9] =	ssyncadd.s32 $0xFFFF8000  }
0x103: {  	[tilespmem:s10], [sflag:$0x2] =	stream.indirect.gather.add.f32 [hbm:s3], $0x400, s21, s6, $0xb8;
	[tilespmem:$0x10300] =	vst v63  }
0x104: {  	_ = 	snop  }
0x105: {  	[tilespmem:s10], [sflag:$0x2] =	stream.indirect.gather.add.f32 [hbm:s3], $0x400, s22, s6, $0xb8;
	[tilespmem:$0x10300] =	vst v63  }
0x106: {  	_ =	swait.ge [sflag:s8], $0x8000  }
0x107: {  	[sflag:s8] =	ssyncset.done $0x0  }
0x108: {  	[sflag:s8] =	ssyncadd.s32 $0xFFFF8000  }
0x109: {  	[tilespmem:s4], [sflag:$0x1] =	stream.indirect.gather [hbm4b:s3+s6], $0x400, s20, s6, $0xb8;
	[tilespmem:$0x10300] =	vst v63  }
0x10a: {  	_ =	swait.ge [sflag:s7], $0x8000  }
0x10b: {  	[sflag:s7] =	ssyncset.done $0x0  }
0x10c: {  	[sflag:s7] =	ssyncadd.s32 $0xFFFF8000  }
0x10d: {  	_ =	swait.ge [sflag:s7], $0x8000  }
0x10e: {  	[sflag:s7] =	ssyncset.done $0x0  }
0x10f: {  	s11 =	rddreg [dreg:$0xa];
	[sflag:s7] =	ssyncadd.s32 $0xFFFF8000  }
0x110: {  	[hbm4b:s11+s2] =	stream.linear.scatter [tilespmem:s10], [sflag:$0x3], $0x8000, $0x38;
	[tilespmem:$0x10300] =	vst v63  }
0x111: {  	_ =	swait.ge [sflag:s9], $0x8000  }
0x112: {  	[sflag:s9] =	ssyncset.done $0x0  }
0x113: {  	s11 =	simm.s32 $0x1A0;
	[sflag:s9] =	ssyncadd.s32 $0xFFFF8000  }
0x114: {  	[tilespmem:s4], [sflag:$0x2] =	stream.indirect.gather.add.f32 [hbm:s3], $0x400, s11, s6, $0xb8;
	[tilespmem:$0x10300] =	vst v63  }
0x115: {  	_ = 	snop  }
0x116: {  	[tilespmem:s4], [sflag:$0x2] =	stream.indirect.gather.add.f32 [hbm:s3], $0x400, s18, s6, $0xb8;
	[tilespmem:$0x10300] =	vst v63  }
0x117: {  	_ =	swait.ge [sflag:s5], $0x8000  }
0x118: {  	[sflag:s5] =	ssyncset.done $0x0  }
0x119: {  	[sflag:s5] =	ssyncadd.s32 $0xFFFF8000  }
0x11a: {  	[tilespmem:s10], [sflag:$0x1] =	stream.indirect.gather [hbm4b:s3+s6], $0x400, s19, s6, $0xb8;
	[tilespmem:$0x10300] =	vst v63  }
0x11b: {  	_ =	swait.ge [sflag:s7], $0x8000  }
0x11c: {  	[sflag:s7] =	ssyncset.done $0x0  }
0x11d: {  	[sflag:s7] =	ssyncadd.s32 $0xFFFF8000  }
0x11e: {  	_ =	swait.ge [sflag:s7], $0x8000  }
0x11f: {  	[sflag:s7] =	ssyncset.done $0x0  }
0x120: {  	s11 =	rddreg [dreg:$0xb];
	[sflag:s7] =	ssyncadd.s32 $0xFFFF8000  }
0x121: {  	[hbm4b:s11+s2] =	stream.linear.scatter [tilespmem:s4], [sflag:$0x4], $0x8000, $0x38;
	[tilespmem:$0x10300] =	vst v63  }
0x122: {  	_ =	swait.ge [sflag:s9], $0x8000  }
0x123: {  	[sflag:s9] =	ssyncset.done $0x0  }
0x124: {  	[sflag:s9] =	ssyncadd.s32 $0xFFFF8000  }
0x125: {  	[tilespmem:s10], [sflag:$0x2] =	stream.indirect.gather.add.f32 [hbm:s3], $0x400, s15, s6, $0xb8;
	[tilespmem:$0x10300] =	vst v63  }
0x126: {  	_ = 	snop  }
0x127: {  	[tilespmem:s10], [sflag:$0x2] =	stream.indirect.gather.add.f32 [hbm:s3], $0x400, s16, s6, $0xb8;
	[tilespmem:$0x10300] =	vst v63  }
0x128: {  	_ =	swait.ge [sflag:s8], $0x8000  }
0x129: {  	[sflag:s8] =	ssyncset.done $0x0  }
0x12a: {  	[sflag:s8] =	ssyncadd.s32 $0xFFFF8000  }
0x12b: {  	[tilespmem:s4], [sflag:$0x1] =	stream.indirect.gather [hbm4b:s3+s6], $0x400, s14, s6, $0xb8;
	[tilespmem:$0x10300] =	vst v63  }
0x12c: {  	_ =	swait.ge [sflag:s7], $0x8000  }
0x12d: {  	[sflag:s7] =	ssyncset.done $0x0  }
0x12e: {  	[sflag:s7] =	ssyncadd.s32 $0xFFFF8000  }
0x12f: {  	_ =	swait.ge [sflag:s7], $0x8000  }
0x130: {  	[sflag:s7] =	ssyncset.done $0x0  }
0x131: {  	s11 =	rddreg [dreg:$0xc];
	[sflag:s7] =	ssyncadd.s32 $0xFFFF8000  }
0x132: {  	[hbm4b:s11+s2] =	stream.linear.scatter [tilespmem:s10], [sflag:$0x3], $0x8000, $0x38;
	[tilespmem:$0x10300] =	vst v63  }
0x133: {  	_ =	swait.ge [sflag:s9], $0x8000  }
0x134: {  	[sflag:s9] =	ssyncset.done $0x0  }
0x135: {  	[sflag:s9] =	ssyncadd.s32 $0xFFFF8000  }
0x136: {  	[tilespmem:s4], [sflag:$0x2] =	stream.indirect.gather.add.f32 [hbm:s3], $0x400, s12, s6, $0xb8;
	[tilespmem:$0x10300] =	vst v63  }
0x137: {  	_ = 	snop  }
0x138: {  	[tilespmem:s4], [sflag:$0x2] =	stream.indirect.gather.add.f32 [hbm:s3], $0x400, s13, s6, $0xb8;
	[tilespmem:$0x10300] =	vst v63  }
0x139: {  	_ =	swait.ge [sflag:s7], $0x8000  }
0x13a: {  	[sflag:s7] =	ssyncset.done $0x0  }
0x13b: {  	[sflag:s7] =	ssyncadd.s32 $0xFFFF8000  }
0x13c: {  	_ =	swait.ge [sflag:s7], $0x8000  }
0x13d: {  	[sflag:s7] =	ssyncset.done $0x0  }
0x13e: {  	p1 =	sne.s32 s1, $0x1;
	s11 =	rddreg [dreg:$0xd];
	[sflag:s7] =	ssyncadd.s32 $0xFFFF8000  }
0x13f: {  	[hbm4b:s11+s2] =	stream.linear.scatter [tilespmem:s4], [sflag:$0x4], $0x8000, $0x38;
	[tilespmem:$0x10300] =	vst v63  }
.Ltmp2:
0x140: {  	_ =	swait.ge [sflag:s5], $0x8000;
	(pc) =	sbr.rel @p1 .LBB2_4-.Ltmp2, $4  }
0x141: {  	[sflag:s5] =	ssyncset.done $0x0  }
0x142: {  	[sflag:s5] =	ssyncadd.s32 $0xFFFF8000  }
0x143: {  	_ =	swait.ge [sflag:s8], $0x8000  }
0x144: {  	s1 =	sadd.s32 $0xFFFFFFFF, s1;
	s0 =	rddreg [dreg:$0x3];
	[sflag:s8] =	ssyncset.done $0x0  }
0x145: {  	s13 =	simm.s32 $0x240;
	s28 =	simm.s32 $0x140  }
0x146: {  	s26 =	simm.s32 $0x60;
	s25 =	simm.s32 $0x260;
	s24 =	simm.s32 $0x160  }
0x147: {  	s23 =	simm.s32 $0x80;
	s22 =	simm.s32 $0x280;
	s21 =	simm.s32 $0x180  }
0x148: {  	s20 =	simm.s32 $0xA0;
	s19 =	simm.s32 $0xC0;
	s18 =	simm.s32 $0x2A0  }
0x149: {  	s17 =	simm.s32 $0x1A0;
	s16 =	simm.s32 $0x2C0;
	s15 =	simm.s32 $0x1C0  }
0x14a: {  	s14 =	simm.s32 $0xE0;
	s12 =	simm.s32 $0x1E0;
	s11 =	stileid.u32  }
.LBB2_6:
0x14b: {  	[sflag:s8] =	ssyncadd.s32 @p0 $0xFFFF8000  }
0x14c: {  	[tilespmem:s2], [sflag:$0x5] =	stream.linear.gather [hbm4b:s0+s2], $0x100, $0x38;
	[tilespmem:$0x10300] =	vst v63  }
0x14d: {  	_ =	swait.ge [sflag:s31], $0x100  }
0x14e: {  	[sflag:s31] =	ssyncset.done $0x0  }
0x14f: {  	s1 =	rddreg [dreg:$0x4];
	[sflag:s31] =	ssyncadd.s32 $0xFFFFFF00  }
0x150: {  	[tilespmem:s29], [sflag:$0x5] =	stream.linear.gather [hbm4b:s1+s2], $0x100, $0x38;
	[tilespmem:$0x10300] =	vst v63  }
0x151: {  	_ =	swait.ge [sflag:s31], $0x100  }
0x152: {  	[sflag:s31] =	ssyncset.done $0x0  }
0x153: {  	s1 =	rddreg [dreg:$0x5];
	[sflag:s31] =	ssyncadd.s32 $0xFFFFFF00  }
0x154: {  	[tilespmem:s30], [sflag:$0x5] =	stream.linear.gather [hbm4b:s1+s2], $0x100, $0x38;
	[tilespmem:$0x10300] =	vst v63  }
0x155: {  	_ =	swait.ge [sflag:s31], $0x100  }
0x156: {  	[sflag:s31] =	ssyncset.done $0x0  }
0x157: {  	[sflag:s31] =	ssyncadd.s32 $0xFFFFFF00  }
0x158: {  	[tilespmem:s10], [sflag:$0x1] =	stream.indirect.gather [hbm4b:s3+s6], $0x400, s2, s6, $0xb8;
	[tilespmem:$0x10300] =	vst v63  }
0x159: {  	_ =	swait.ge [sflag:s9], $0x8000  }
0x15a: {  	[sflag:s9] =	ssyncset.done $0x0  }
0x15b: {  	[sflag:s9] =	ssyncadd.s32 $0xFFFF8000  }
0x15c: {  	[tilespmem:s10], [sflag:$0x2] =	stream.indirect.gather.add.f32 [hbm:s3], $0x400, s29, s6, $0xb8;
	[tilespmem:$0x10300] =	vst v63  }
0x15d: {  	_ = 	snop  }
0x15e: {  	[tilespmem:s10], [sflag:$0x2] =	stream.indirect.gather.add.f32 [hbm:s3], $0x400, s30, s6, $0xb8;
	[tilespmem:$0x10300] =	vst v63  }
0x15f: {  	_ = 	snop  }
0x160: {  	[tilespmem:s4], [sflag:$0x1] =	stream.indirect.gather [hbm4b:s3+s6], $0x400, s6, s6, $0xb8;
	[tilespmem:$0x10300] =	vst v63  }
0x161: {  	_ =	swait.ge [sflag:s7], $0x8000  }
0x162: {  	[sflag:s7] =	ssyncset.done $0x0  }
0x163: {  	[sflag:s7] =	ssyncadd.s32 $0xFFFF8000  }
0x164: {  	_ =	swait.ge [sflag:s7], $0x8000  }
0x165: {  	[sflag:s7] =	ssyncset.done $0x0  }
0x166: {  	s29 =	rddreg [dreg:$0x6];
	[sflag:s7] =	ssyncadd.s32 $0xFFFF8000  }
0x167: {  	[hbm4b:s29+s2] =	stream.linear.scatter [tilespmem:s10], [sflag:$0x3], $0x8000, $0x38;
	[tilespmem:$0x10300] =	vst v63  }
0x168: {  	_ =	swait.ge [sflag:s9], $0x8000  }
0x169: {  	[sflag:s9] =	ssyncset.done $0x0  }
0x16a: {  	s30 =	rddreg [dreg:$0xe];
	[sflag:s9] =	ssyncadd.s32 $0xFFFF8000  }
0x16b: {  	[tilespmem:s4], [sflag:$0x2] =	stream.indirect.gather.add.f32 [hbm:s3], $0x400, s30, s6, $0xb8;
	[tilespmem:$0x10300] =	vst v63  }
0x16c: {  	s1 =	rddreg [dreg:$0xf]  }
0x16d: {  	[tilespmem:s4], [sflag:$0x2] =	stream.indirect.gather.add.f32 [hbm:s3], $0x400, s1, s6, $0xb8;
	[tilespmem:$0x10300] =	vst v63  }
0x16e: {  	_ =	swait.ge [sflag:s5], $0x8000  }
0x16f: {  	[sflag:s5] =	ssyncset.done $0x0  }
0x170: {  	s31 =	rddreg [dreg:$0x10];
	[sflag:s5] =	ssyncadd.s32 $0xFFFF8000  }
0x171: {  	[tilespmem:s10], [sflag:$0x1] =	stream.indirect.gather [hbm4b:s3+s6], $0x400, s31, s6, $0xb8;
	[tilespmem:$0x10300] =	vst v63  }
0x172: {  	_ =	swait.ge [sflag:s7], $0x8000  }
0x173: {  	[sflag:s7] =	ssyncset.done $0x0  }
0x174: {  	[sflag:s7] =	ssyncadd.s32 $0xFFFF8000  }
0x175: {  	_ =	swait.ge [sflag:s7], $0x8000  }
0x176: {  	[sflag:s7] =	ssyncset.done $0x0  }
0x177: {  	s1 =	rddreg [dreg:$0x7];
	[sflag:s7] =	ssyncadd.s32 $0xFFFF8000  }
0x178: {  	[hbm4b:s1+s2] =	stream.linear.scatter [tilespmem:s4], [sflag:$0x4], $0x8000, $0x38;
	[tilespmem:$0x10300] =	vst v63  }
0x179: {  	_ =	swait.ge [sflag:s9], $0x8000  }
0x17a: {  	[sflag:s9] =	ssyncset.done $0x0  }
0x17b: {  	[sflag:s9] =	ssyncadd.s32 $0xFFFF8000  }
0x17c: {  	[tilespmem:s10], [sflag:$0x2] =	stream.indirect.gather.add.f32 [hbm:s3], $0x400, s28, s6, $0xb8;
	[tilespmem:$0x10300] =	vst v63  }
0x17d: {  	_ = 	snop  }
0x17e: {  	[tilespmem:s10], [sflag:$0x2] =	stream.indirect.gather.add.f32 [hbm:s3], $0x400, s13, s6, $0xb8;
	[tilespmem:$0x10300] =	vst v63  }
0x17f: {  	_ =	swait.ge [sflag:s8], $0x8000  }
0x180: {  	[sflag:s8] =	ssyncset.done $0x0  }
0x181: {  	[sflag:s8] =	ssyncadd.s32 $0xFFFF8000  }
0x182: {  	[tilespmem:s4], [sflag:$0x1] =	stream.indirect.gather [hbm4b:s3+s6], $0x400, s26, s6, $0xb8;
	[tilespmem:$0x10300] =	vst v63  }
0x183: {  	_ =	swait.ge [sflag:s7], $0x8000  }
0x184: {  	[sflag:s7] =	ssyncset.done $0x0  }
0x185: {  	[sflag:s7] =	ssyncadd.s32 $0xFFFF8000  }
0x186: {  	_ =	swait.ge [sflag:s7], $0x8000  }
0x187: {  	[sflag:s7] =	ssyncset.done $0x0  }
0x188: {  	s13 =	rddreg [dreg:$0x8];
	[sflag:s7] =	ssyncadd.s32 $0xFFFF8000  }
0x189: {  	[hbm4b:s13+s2] =	stream.linear.scatter [tilespmem:s10], [sflag:$0x3], $0x8000, $0x38;
	[tilespmem:$0x10300] =	vst v63  }
0x18a: {  	_ =	swait.ge [sflag:s9], $0x8000  }
0x18b: {  	[sflag:s9] =	ssyncset.done $0x0  }
0x18c: {  	[sflag:s9] =	ssyncadd.s32 $0xFFFF8000  }
0x18d: {  	[tilespmem:s4], [sflag:$0x2] =	stream.indirect.gather.add.f32 [hbm:s3], $0x400, s24, s6, $0xb8;
	[tilespmem:$0x10300] =	vst v63  }
0x18e: {  	_ = 	snop  }
0x18f: {  	[tilespmem:s4], [sflag:$0x2] =	stream.indirect.gather.add.f32 [hbm:s3], $0x400, s25, s6, $0xb8;
	[tilespmem:$0x10300] =	vst v63  }
0x190: {  	_ =	swait.ge [sflag:s5], $0x8000  }
0x191: {  	[sflag:s5] =	ssyncset.done $0x0  }
0x192: {  	[sflag:s5] =	ssyncadd.s32 $0xFFFF8000  }
0x193: {  	[tilespmem:s10], [sflag:$0x1] =	stream.indirect.gather [hbm4b:s3+s6], $0x400, s23, s6, $0xb8;
	[tilespmem:$0x10300] =	vst v63  }
0x194: {  	_ =	swait.ge [sflag:s7], $0x8000  }
0x195: {  	[sflag:s7] =	ssyncset.done $0x0  }
0x196: {  	[sflag:s7] =	ssyncadd.s32 $0xFFFF8000  }
0x197: {  	_ =	swait.ge [sflag:s7], $0x8000  }
0x198: {  	[sflag:s7] =	ssyncset.done $0x0  }
0x199: {  	s25 =	rddreg [dreg:$0x9];
	[sflag:s7] =	ssyncadd.s32 $0xFFFF8000  }
0x19a: {  	[hbm4b:s25+s2] =	stream.linear.scatter [tilespmem:s4], [sflag:$0x4], $0x8000, $0x38;
	[tilespmem:$0x10300] =	vst v63  }
0x19b: {  	_ =	swait.ge [sflag:s9], $0x8000  }
0x19c: {  	[sflag:s9] =	ssyncset.done $0x0  }
0x19d: {  	[sflag:s9] =	ssyncadd.s32 $0xFFFF8000  }
0x19e: {  	[tilespmem:s10], [sflag:$0x2] =	stream.indirect.gather.add.f32 [hbm:s3], $0x400, s21, s6, $0xb8;
	[tilespmem:$0x10300] =	vst v63  }
0x19f: {  	_ = 	snop  }
0x1a0: {  	[tilespmem:s10], [sflag:$0x2] =	stream.indirect.gather.add.f32 [hbm:s3], $0x400, s22, s6, $0xb8;
	[tilespmem:$0x10300] =	vst v63  }
0x1a1: {  	_ =	swait.ge [sflag:s8], $0x8000  }
0x1a2: {  	[sflag:s8] =	ssyncset.done $0x0  }
0x1a3: {  	[sflag:s8] =	ssyncadd.s32 $0xFFFF8000  }
0x1a4: {  	[tilespmem:s4], [sflag:$0x1] =	stream.indirect.gather [hbm4b:s3+s6], $0x400, s20, s6, $0xb8;
	[tilespmem:$0x10300] =	vst v63  }
0x1a5: {  	_ =	swait.ge [sflag:s7], $0x8000  }
0x1a6: {  	[sflag:s7] =	ssyncset.done $0x0  }
0x1a7: {  	[sflag:s7] =	ssyncadd.s32 $0xFFFF8000  }
0x1a8: {  	_ =	swait.ge [sflag:s7], $0x8000  }
0x1a9: {  	[sflag:s7] =	ssyncset.done $0x0  }
0x1aa: {  	s26 =	rddreg [dreg:$0xa];
	[sflag:s7] =	ssyncadd.s32 $0xFFFF8000  }
0x1ab: {  	[hbm4b:s26+s2] =	stream.linear.scatter [tilespmem:s10], [sflag:$0x3], $0x8000, $0x38;
	[tilespmem:$0x10300] =	vst v63  }
0x1ac: {  	_ =	swait.ge [sflag:s9], $0x8000  }
0x1ad: {  	[sflag:s9] =	ssyncset.done $0x0  }
0x1ae: {  	[sflag:s9] =	ssyncadd.s32 $0xFFFF8000  }
0x1af: {  	[tilespmem:s4], [sflag:$0x2] =	stream.indirect.gather.add.f32 [hbm:s3], $0x400, s17, s6, $0xb8;
	[tilespmem:$0x10300] =	vst v63  }
0x1b0: {  	_ = 	snop  }
0x1b1: {  	[tilespmem:s4], [sflag:$0x2] =	stream.indirect.gather.add.f32 [hbm:s3], $0x400, s18, s6, $0xb8;
	[tilespmem:$0x10300] =	vst v63  }
0x1b2: {  	_ =	swait.ge [sflag:s5], $0x8000  }
0x1b3: {  	[sflag:s5] =	ssyncset.done $0x0  }
0x1b4: {  	[sflag:s5] =	ssyncadd.s32 $0xFFFF8000  }
0x1b5: {  	[tilespmem:s10], [sflag:$0x1] =	stream.indirect.gather [hbm4b:s3+s6], $0x400, s19, s6, $0xb8;
	[tilespmem:$0x10300] =	vst v63  }
0x1b6: {  	_ =	swait.ge [sflag:s7], $0x8000  }
0x1b7: {  	[sflag:s7] =	ssyncset.done $0x0  }
0x1b8: {  	[sflag:s7] =	ssyncadd.s32 $0xFFFF8000  }
0x1b9: {  	_ =	swait.ge [sflag:s7], $0x8000  }
0x1ba: {  	[sflag:s7] =	ssyncset.done $0x0  }
0x1bb: {  	s28 =	rddreg [dreg:$0xb];
	[sflag:s7] =	ssyncadd.s32 $0xFFFF8000  }
0x1bc: {  	[hbm4b:s28+s2] =	stream.linear.scatter [tilespmem:s4], [sflag:$0x4], $0x8000, $0x38;
	[tilespmem:$0x10300] =	vst v63  }
0x1bd: {  	_ =	swait.ge [sflag:s9], $0x8000  }
0x1be: {  	[sflag:s9] =	ssyncset.done $0x0  }
0x1bf: {  	[sflag:s9] =	ssyncadd.s32 $0xFFFF8000  }
0x1c0: {  	[tilespmem:s10], [sflag:$0x2] =	stream.indirect.gather.add.f32 [hbm:s3], $0x400, s15, s6, $0xb8;
	[tilespmem:$0x10300] =	vst v63  }
0x1c1: {  	_ = 	snop  }
0x1c2: {  	[tilespmem:s10], [sflag:$0x2] =	stream.indirect.gather.add.f32 [hbm:s3], $0x400, s16, s6, $0xb8;
	[tilespmem:$0x10300] =	vst v63  }
0x1c3: {  	_ =	swait.ge [sflag:s8], $0x8000  }
0x1c4: {  	[sflag:s8] =	ssyncset.done $0x0  }
0x1c5: {  	[sflag:s8] =	ssyncadd.s32 $0xFFFF8000  }
0x1c6: {  	[tilespmem:s4], [sflag:$0x1] =	stream.indirect.gather [hbm4b:s3+s6], $0x400, s14, s6, $0xb8;
	[tilespmem:$0x10300] =	vst v63  }
0x1c7: {  	_ =	swait.ge [sflag:s7], $0x8000  }
0x1c8: {  	[sflag:s7] =	ssyncset.done $0x0  }
0x1c9: {  	[sflag:s7] =	ssyncadd.s32 $0xFFFF8000  }
0x1ca: {  	_ =	swait.ge [sflag:s7], $0x8000  }
0x1cb: {  	[sflag:s7] =	ssyncset.done $0x0  }
0x1cc: {  	s29 =	rddreg [dreg:$0xc];
	[sflag:s7] =	ssyncadd.s32 $0xFFFF8000  }
0x1cd: {  	[hbm4b:s29+s2] =	stream.linear.scatter [tilespmem:s10], [sflag:$0x3], $0x8000, $0x38;
	[tilespmem:$0x10300] =	vst v63  }
0x1ce: {  	_ =	swait.ge [sflag:s9], $0x8000  }
0x1cf: {  	[sflag:s9] =	ssyncset.done $0x0  }
0x1d0: {  	[sflag:s9] =	ssyncadd.s32 $0xFFFF8000  }
0x1d1: {  	[tilespmem:s4], [sflag:$0x2] =	stream.indirect.gather.add.f32 [hbm:s3], $0x400, s12, s6, $0xb8;
	[tilespmem:$0x10300] =	vst v63  }
0x1d2: {  	s30 =	simm.s32 $0x2E0  }
0x1d3: {  	[tilespmem:s4], [sflag:$0x2] =	stream.indirect.gather.add.f32 [hbm:s3], $0x400, s30, s6, $0xb8;
	[tilespmem:$0x10300] =	vst v63  }
0x1d4: {  	_ =	swait.ge [sflag:s7], $0x8000  }
0x1d5: {  	[sflag:s7] =	ssyncset.done $0x0  }
0x1d6: {  	[sflag:s7] =	ssyncadd.s32 $0xFFFF8000  }
0x1d7: {  	_ =	swait.ge [sflag:s7], $0x8000  }
0x1d8: {  	[sflag:s7] =	ssyncset.done $0x0  }
0x1d9: {  	s31 =	rddreg [dreg:$0xd];
	[sflag:s7] =	ssyncadd.s32 $0xFFFF8000  }
0x1da: {  	[hbm4b:s31+s2] =	stream.linear.scatter [tilespmem:s4], [sflag:$0x4], $0x8000, $0x38;
	[tilespmem:$0x10300] =	vst v63  }
0x1db: {  	_ =	swait.ge [sflag:s5], $0x8000  }
0x1dc: {  	[sflag:s5] =	ssyncset.done $0x0  }
0x1dd: {  	[sflag:s5] =	ssyncadd.s32 $0xFFFF8000  }
0x1de: {  	_ =	swait.ge [sflag:s8], $0x8000  }
0x1df: {  	[sflag:s8] =	ssyncset.done $0x0  }
0x1e0: {  	[sflag:s8] =	ssyncadd.s32 $0xFFFF8000  }
0x1e1: {  	_ =	sfence.sel $0x180000  }
0x1e2: {  	[bflag:$0x0] =	sbarrier.arrive $0xFFFF  }
0x1e3: {  	_ =	strace $0x90000047  }
0x1e4: {  	[bflag:$0x2] =	sbarrier.arrive $0xFFFF  }
0x1e5: {  	p0 =	sne.s32 s11, $0x0;
	s0 =	rddreg [dreg:$0x2]  }
0x1e6: {  	s0 =	sadd.s32 @!p0 $0x100000, s0  }
0x1e7: {  	[sflag:s0] =	ssyncadd.tile.s32 @!p0 $0x1;
	_ =	shalt  }
.LBB2_1:
0x1e8: {  	s13 =	simm.s32 $0x240;
	s28 =	simm.s32 $0x140  }
.Ltmp3:
0x1e9: {  	s26 =	simm.s32 $0x60;
	s25 =	simm.s32 $0x260;
	(pc) =	sbr.rel .LBB2_6-.Ltmp3, $4  }
0x1ea: {  	s24 =	simm.s32 $0x160;
	s23 =	simm.s32 $0x80;
	s22 =	simm.s32 $0x280  }
0x1eb: {  	s21 =	simm.s32 $0x180;
	s20 =	simm.s32 $0xA0;
	s19 =	simm.s32 $0xC0  }
0x1ec: {  	s18 =	simm.s32 $0x2A0;
	s17 =	simm.s32 $0x1A0;
	s16 =	simm.s32 $0x2C0  }
0x1ed: {  	s15 =	simm.s32 $0x1C0;
	s14 =	simm.s32 $0xE0;
	s12 =	simm.s32 $0x1E0  }
.LBB2_3:
0x1ee: {  	s13 =	simm.s32 $0x240;
	s28 =	simm.s32 $0x140;
	s26 =	simm.s32 $0x60  }
.Ltmp4:
0x1ef: {  	s25 =	simm.s32 $0x260;
	s24 =	simm.s32 $0x160;
	(pc) =	sbr.rel .LBB2_6-.Ltmp4, $4  }
0x1f0: {  	s23 =	simm.s32 $0x80;
	s22 =	simm.s32 $0x280;
	s21 =	simm.s32 $0x180  }
0x1f1: {  	s20 =	simm.s32 $0xA0;
	s19 =	simm.s32 $0xC0;
	s18 =	simm.s32 $0x2A0  }
0x1f2: {  	s17 =	simm.s32 $0x1A0;
	s16 =	simm.s32 $0x2C0;
	s15 =	simm.s32 $0x1C0  }
0x1f3: {  	s14 =	simm.s32 $0xE0;
	s12 =	simm.s32 $0x1E0;
	s11 =	stileid.u32  }
.Lfunc_end2:
_tile_overlayer_lowered:
.L_overlay_start_2:
0x1f4: {  	(tag) =	ssettag $0x2  }
0x1f5: {  	s0 =	rddreg [dreg:$0x0];
	s2 =	stileid.u32  }
0x1f6: {  	s1 =	rddreg [dreg:$0x1];
	p0 =	sne.s32 s2, $0x0  }
0x1f7: {  	s3 =	rddreg [dreg:$0x2];
	[bflag:$0x3] =	sbarrier.arrive $0xFFFF;
	s2 =	simm.s32 @!p0 $0x1C05  }
0x1f8: {  	[timem:s3], [sflag:s2] =	dma.local @!p0 [hbm:s0], s1  }
0x1f9: {  	s0 =	simm.s32 @!p0 $0x5  }
0x1fa: {  	_ =	swait.ge @!p0 [sflag:s0], s1  }
0x1fb: {  	s1 =	ssub.s32 @!p0 $0x0, s1;
	[sflag:s0] =	ssyncset.done @!p0 $0x0  }
0x1fc: {  	[sflag:s0] =	ssyncadd.s32 @!p0 s1  }
0x1fd: {  	[bflag:$0x3] =	sbarrier.arrive $0xFFFF  }
0x1fe: {  	_ =	shalt  }

</sc_bundles>
